<compile_context>
chip_gen: v7x
topology: tpu7x:2x2x1
jax: 0.10.2.dev20260603
libtpu: 0.0.44.dev20260713+nightly
codegen_flags: <defaults>
</compile_context>

<pallas_src>
import functools

import jax
import jax.numpy as jnp
from jax import lax
from jax.experimental import pallas as pl
from jax.experimental.pallas import tpu as pltpu
from jax.experimental.pallas import tpu_sc as plsc

BATCH = 16384
EMBED_DIM = 32
BN_EPS = 1e-5

_NC = 2
_NS = 16
_NW = _NC * _NS
_BPW = BATCH // _NW
_CHUNK = 128
_NCHUNK = _BPW // _CHUNK

_BLK = 2048


def _sc_gather4(uidx, iidx, ug_t, ig_t, um_t, im_t):
    mesh = plsc.VectorSubcoreMesh(core_axis_name="c", subcore_axis_name="s")
    out_sh = jax.ShapeDtypeStruct((EMBED_DIM, BATCH), jnp.float32)
    _K = 5
    _CB = 128
    _NB = _BPW // _CB
    tile_t = pltpu.VMEM((_K, EMBED_DIM, 128), jnp.float32)
    col_t = pltpu.VMEM((2, EMBED_DIM, _CB), jnp.float32)

    @functools.partial(
        pl.kernel,
        mesh=mesh,
        out_type=[out_sh] * 4,
        compiler_params=pltpu.CompilerParams(needs_layout_passes=False),
        scratch_types=[
            pltpu.VMEM((_BPW + 16,), jnp.int32),
            pltpu.VMEM((_BPW + 16,), jnp.int32),
            [tile_t] * 4,
            [col_t] * 4,
            [pltpu.SemaphoreType.DMA((_K,))] * 4,
            [pltpu.SemaphoreType.DMA] * 4,
        ],
    )
    def k(uidx_h, iidx_h, ug_h, ig_h, um_h, im_h,
          o_ug, o_ig, o_um, o_im,
          uv, iv, tiles, cols, sems, wsems):
        wid = lax.axis_index("s") * _NC + lax.axis_index("c")
        base = wid * _BPW
        pltpu.sync_copy(uidx_h.at[pl.ds(base, _BPW)], uv.at[pl.ds(0, _BPW)])
        pltpu.sync_copy(iidx_h.at[pl.ds(base, _BPW)], iv.at[pl.ds(0, _BPW)])
        tabs = (ug_h, ig_h, um_h, im_h)
        outs = (o_ug, o_ig, o_um, o_im)
        rows0 = lax.iota(jnp.int32, 16)
        rows1 = rows0 + 16

        def body(n, _):
            @pl.when(n < _BPW)
            def _fire():
                slot = lax.rem(n, _K)
                ru = uv[pl.ds(n, 16)][0]
                ri = iv[pl.ds(n, 16)][0]
                tcu = pl.multiple_of((ru // 128) * 128, 128)
                tci = pl.multiple_of((ri // 128) * 128, 128)
                for t, tc in ((0, tcu), (1, tci), (2, tcu), (3, tci)):
                    pltpu.async_copy(tabs[t].at[:, pl.ds(tc, 128)],
                                     tiles[t].at[slot], sems[t].at[slot])

            m = n - (_K - 1)

            @pl.when(m >= 0)
            def _extract():
                mslot = lax.rem(m, _K)
                blk = lax.rem(m // _CB, 2)
                sv = jnp.full((16,), mslot, dtype=jnp.int32)
                bv = jnp.full((16,), blk, dtype=jnp.int32)
                cv = jnp.full((16,), lax.rem(m, _CB), dtype=jnp.int32)
                lu = jnp.full((16,), uv[pl.ds(m, 16)][0] % 128, jnp.int32)
                li = jnp.full((16,), iv[pl.ds(m, 16)][0] % 128, jnp.int32)

                @pl.when(jnp.logical_and(lax.rem(m, _CB) == 0, m >= 2 * _CB))
                def _wait_prev():
                    for t in range(4):
                        pltpu.make_async_copy(
                            tabs[t].at[:, pl.ds(0, _CB)],
                            cols[t].at[0], wsems[t]).wait()

                for t, lane in ((0, lu), (1, li), (2, lu), (3, li)):
                    pltpu.make_async_copy(
                        tabs[t].at[:, pl.ds(0, 128)],
                        tiles[t].at[0], sems[t].at[mslot]).wait()
                    for rows in (rows0, rows1):
                        v = plsc.load_gather(tiles[t], [sv, rows, lane])
                        plsc.store_scatter(cols[t], [bv, rows, cv], v)

                @pl.when(lax.rem(m, _CB) == _CB - 1)
                def _flush():
                    off = pl.multiple_of(base + (m - (_CB - 1)), _CB)
                    for t in range(4):
                        pltpu.async_copy(cols[t].at[blk],
                                         outs[t].at[:, pl.ds(off, _CB)],
                                         wsems[t])

            return _

        lax.fori_loop(0, _BPW + _K - 1, body, 0)
        for t in range(4):
            for _i in range(2):
                pltpu.make_async_copy(
                    tabs[t].at[:, pl.ds(0, _CB)],
                    cols[t].at[0], wsems[t]).wait()

    return k(uidx, iidx, ug_t, ig_t, um_t, im_t)


def _tc_body(ug_ref, ig_ref, um_ref, im_ref,
             w0_ref, b0_ref, w1_ref, b1_ref, w2_ref, b2_ref, w3_ref, b3_ref,
             wpg_ref, wpm_ref, bp_ref, out_ref):
    ug = ug_ref[...]
    ig = ig_ref[...]
    un = jnp.sqrt(jnp.sum(ug * ug, axis=0, keepdims=True))
    vn = jnp.sqrt(jnp.sum(ig * ig, axis=0, keepdims=True))
    gmf = (ug / jnp.maximum(un, 1e-12)) * (ig / jnp.maximum(vn, 1e-12))
    h = jnp.concatenate([um_ref[...], im_ref[...]], axis=0)
    for w_ref, b_ref in ((w0_ref, b0_ref), (w1_ref, b1_ref),
                         (w2_ref, b2_ref), (w3_ref, b3_ref)):
        h = jnp.dot(w_ref[...], h, preferred_element_type=jnp.float32)
        h = jnp.maximum(h + b_ref[...], 0.0)
    pred = (jnp.dot(wpg_ref[...], gmf, preferred_element_type=jnp.float32)
            + jnp.dot(wpm_ref[...], h, preferred_element_type=jnp.float32)
            + bp_ref[...])
    out_ref[...] = 1.0 / (1.0 + jnp.exp(-pred))


def kernel(user_indices, item_indices, user_emb_gmf, item_emb_gmf,
           user_emb_mlp, item_emb_mlp,
           W0, b0, gamma0, beta0, W1, b1, gamma1, beta1,
           W2, b2, gamma2, beta2, W3, b3, gamma3, beta3,
           Wp, bp):
    uidx = user_indices.astype(jnp.int32)
    iidx = item_indices.astype(jnp.int32)

    tabs = [t.T for t in
            (user_emb_gmf, item_emb_gmf, user_emb_mlp, item_emb_mlp)]
    g_ug, g_ig, g_um, g_im = _sc_gather4(uidx, iidx, *tabs)

    inv = 1.0 / jnp.sqrt(jnp.float32(1.0 + BN_EPS))
    ws, bs = [], []
    for W, b, g, be in ((W0, b0, gamma0, beta0), (W1, b1, gamma1, beta1),
                        (W2, b2, gamma2, beta2), (W3, b3, gamma3, beta3)):
        s = g * inv
        ws.append((W * s[None, :]).T)
        bs.append((b * s + be)[:, None])
    wpg = Wp[:EMBED_DIM, :].T
    wpm = Wp[EMBED_DIM:, :].T
    bp2 = bp[:, None]

    grid = BATCH // _BLK
    col_spec = pl.BlockSpec((EMBED_DIM, _BLK), lambda i: (0, i))
    full = lambda a: pl.BlockSpec(a.shape, lambda i: (0,) * a.ndim)
    wspecs = []
    for w, b in zip(ws, bs):
        wspecs += [full(w), full(b)]

    out = pl.pallas_call(
        _tc_body,
        grid=(grid,),
        in_specs=[col_spec, col_spec, col_spec, col_spec]
                 + wspecs + [full(wpg), full(wpm), full(bp2)],
        out_specs=pl.BlockSpec((1, _BLK), lambda i: (0, i)),
        out_shape=jax.ShapeDtypeStruct((1, BATCH), jnp.float32),
    )(g_ug, g_ig, g_um, g_im,
      ws[0], bs[0], ws[1], bs[1], ws[2], bs[2], ws[3], bs[3],
      wpg, wpm, bp2)
    return out.reshape(BATCH, 1)

# --- scband reference (transcript-rebuilt; emitter-appended) ---
"""Pipeline reference for scband-ncf-32246614458926 (READ-ONLY COPY).

The authoritative reference and input builder live on the scoring server;
editing this copy changes nothing except your own understanding.
"""

import jax, jax.numpy as jnp
import numpy as np

NUM_USERS = 1000000
NUM_ITEMS = 1000000
EMBED_DIM = 32
MLP_LAYERS = [64, 32, 16, 8]
BATCH = 16384
BN_EPS = 1e-5


def _xavier(key, shape):
    fan_in, fan_out = shape[0], shape[1]
    limit = float(np.sqrt(6.0 / (fan_in + fan_out)))
    return jax.random.uniform(key, shape, dtype=jnp.float32, minval=-limit, maxval=limit)


def setup_inputs(seed: int = 0) -> dict:
    key = jax.random.key(seed)
    ks = [jax.random.fold_in(key, i) for i in range(32)]
    inp = {}
    inp['user_indices'] = jax.random.randint(ks[0], (BATCH,), 0, NUM_USERS, dtype=jnp.int64 if jax.config.jax_enable_x64 else jnp.int32)
    inp['item_indices'] = jax.random.randint(ks[1], (BATCH,), 0, NUM_ITEMS, dtype=jnp.int64 if jax.config.jax_enable_x64 else jnp.int32)
    # Embedding tables (xavier_uniform, 2D shape)
    inp['user_emb_gmf'] = _xavier(ks[2], (NUM_USERS, EMBED_DIM))
    inp['item_emb_gmf'] = _xavier(ks[3], (NUM_ITEMS, EMBED_DIM))
    inp['user_emb_mlp'] = _xavier(ks[4], (NUM_USERS, EMBED_DIM))
    inp['item_emb_mlp'] = _xavier(ks[5], (NUM_ITEMS, EMBED_DIM))
    # MLP: Linear(in, out) weights stored as [in, out]; BN gamma/beta per layer
    in_dim = EMBED_DIM * 2
    ki = 6
    for li, out_dim in enumerate(MLP_LAYERS):
        inp[f'W{li}'] = _xavier(ks[ki], (in_dim, out_dim)); ki += 1
        inp[f'b{li}'] = jnp.zeros((out_dim,), dtype=jnp.float32)
        inp[f'gamma{li}'] = jnp.ones((out_dim,), dtype=jnp.float32)
        inp[f'beta{li}'] = jnp.zeros((out_dim,), dtype=jnp.float32)
        in_dim = out_dim
    fusion_dim = EMBED_DIM + MLP_LAYERS[-1]
    inp['Wp'] = _xavier(ks[ki], (fusion_dim, 1)); ki += 1
    inp['bp'] = jnp.zeros((1,), dtype=jnp.float32)
    return inp


def _l2_normalize(x, eps=1e-12):
    n = jnp.sqrt(jnp.sum(x * x, axis=-1, keepdims=True))
    return x / jnp.maximum(n, eps)


def reference(user_indices, item_indices, user_emb_gmf, item_emb_gmf,
              user_emb_mlp, item_emb_mlp,
              W0, b0, gamma0, beta0, W1, b1, gamma1, beta1,
              W2, b2, gamma2, beta2, W3, b3, gamma3, beta3,
              Wp, bp):
    # GMF branch
    ug = _l2_normalize(jnp.take(user_emb_gmf, user_indices, axis=0))
    ig = _l2_normalize(jnp.take(item_emb_gmf, item_indices, axis=0))
    gmf_out = ug * ig
    # MLP branch
    um = jnp.take(user_emb_mlp, user_indices, axis=0)
    im = jnp.take(item_emb_mlp, item_indices, axis=0)
    h = jnp.concatenate([um, im], axis=-1)
    params = [(W0, b0, gamma0, beta0), (W1, b1, gamma1, beta1),
              (W2, b2, gamma2, beta2), (W3, b3, gamma3, beta3)]
    for (W, b, g, be) in params:
        h = h @ W + b
        # BatchNorm1d in eval mode: running_mean=0, running_var=1
        h = h / jnp.sqrt(1.0 + BN_EPS) * g + be
        h = jax.nn.relu(h)
        # Dropout is identity in eval mode
    fusion = jnp.concatenate([gmf_out, h], axis=-1)
    pred = fusion @ Wp + bp
    return jax.nn.sigmoid(pred)

if __name__ == "__main__":
    import jax
    _d = setup_inputs()
    print(jax.jit(kernel)(*tuple(_d.values())))

</pallas_src>

<mosaic_0001>
#map = affine_map<(d0, d1) -> (0)>
#map1 = affine_map<(d0, d1) -> (0, 0)>
module attributes {stable_mosaic.version = 14 : i64} {
  func.func @k(%arg0: i32, %arg1: i32, %arg2: memref<16384xi32, #tpu.memory_space<hbm>>, %arg3: memref<16384xi32, #tpu.memory_space<hbm>>, %arg4: memref<32x1000000xf32, #tpu.memory_space<hbm>>, %arg5: memref<32x1000000xf32, #tpu.memory_space<hbm>>, %arg6: memref<32x1000000xf32, #tpu.memory_space<hbm>>, %arg7: memref<32x1000000xf32, #tpu.memory_space<hbm>>, %arg8: memref<32x16384xf32, #tpu.memory_space<hbm>>, %arg9: memref<32x16384xf32, #tpu.memory_space<hbm>>, %arg10: memref<32x16384xf32, #tpu.memory_space<hbm>>, %arg11: memref<32x16384xf32, #tpu.memory_space<hbm>>, %arg12: memref<528xi32, #tpu.memory_space<vmem>>, %arg13: memref<528xi32, #tpu.memory_space<vmem>>, %arg14: memref<5x32x128xf32, #tpu.memory_space<vmem>>, %arg15: memref<5x32x128xf32, #tpu.memory_space<vmem>>, %arg16: memref<5x32x128xf32, #tpu.memory_space<vmem>>, %arg17: memref<5x32x128xf32, #tpu.memory_space<vmem>>, %arg18: memref<2x32x128xf32, #tpu.memory_space<vmem>>, %arg19: memref<2x32x128xf32, #tpu.memory_space<vmem>>, %arg20: memref<2x32x128xf32, #tpu.memory_space<vmem>>, %arg21: memref<2x32x128xf32, #tpu.memory_space<vmem>>, %arg22: memref<5x!tpu.dma_semaphore, #tpu.memory_space<semaphore_mem>>, %arg23: memref<5x!tpu.dma_semaphore, #tpu.memory_space<semaphore_mem>>, %arg24: memref<5x!tpu.dma_semaphore, #tpu.memory_space<semaphore_mem>>, %arg25: memref<5x!tpu.dma_semaphore, #tpu.memory_space<semaphore_mem>>, %arg26: memref<!tpu.dma_semaphore, #tpu.memory_space<semaphore_mem>>, %arg27: memref<!tpu.dma_semaphore, #tpu.memory_space<semaphore_mem>>, %arg28: memref<!tpu.dma_semaphore, #tpu.memory_space<semaphore_mem>>, %arg29: memref<!tpu.dma_semaphore, #tpu.memory_space<semaphore_mem>>) attributes {dimension_semantics = [#tpu.dimension_semantics<core_parallel>, #tpu.dimension_semantics<subcore_parallel>], iteration_bounds = array<i64: 2, 16>, scalar_prefetch = 0 : i64, scratch_operands = 18 : i64, tpu.core_type = #tpu.core_type<sc_vector_subcore>, window_params = [{transform_indices = #map}, {transform_indices = #map}, {transform_indices = #map1}, {transform_indices = #map1}, {transform_indices = #map1}, {transform_indices = #map1}, {transform_indices = #map1}, {transform_indices = #map1}, {transform_indices = #map1}, {transform_indices = #map1}]} {
    %mul3A = arith.constant 2 : i32
    %mul3A_0 = arith.muli %arg1, %mul3A : i32
    %add3A = arith.addi %mul3A_0, %arg0 : i32
    %mul3A_1 = arith.constant 512 : i32
    %mul3A_2 = arith.muli %add3A, %mul3A_1 : i32
    "tpu.region"() ({
      %run_scoped3A = tpu.sem_alloc : memref<!tpu.dma_semaphore, #tpu.memory_space<semaphore_mem>>
      %dma_start3A = arith.constant 0 : i32
      %dma_start3A_130 = tpu.memref_slice %arg12[%dma_start3A] : memref<528xi32, #tpu.memory_space<vmem>> -> memref<512xi32, #tpu.memory_space<vmem>>
      %dma_start3A_131 = tpu.memref_slice %arg2[%mul3A_2] : memref<16384xi32, #tpu.memory_space<hbm>> -> memref<512xi32, #tpu.memory_space<hbm>>
      %dma_start3A_132 = arith.constant 0 : i32
      %dma_start3A_133 = tpu.memref_slice %arg12[%dma_start3A_132] : memref<528xi32, #tpu.memory_space<vmem>> -> memref<512xi32, #tpu.memory_space<vmem>>
      %dma_start3A_134 = tpu.memref_slice %arg2[%mul3A_2] : memref<16384xi32, #tpu.memory_space<hbm>> -> memref<512xi32, #tpu.memory_space<hbm>>
      tpu.enqueue_dma source(%dma_start3A_134 : memref<512xi32, #tpu.memory_space<hbm>>) target(%dma_start3A_133 : memref<512xi32, #tpu.memory_space<vmem>>) target_semaphore(%run_scoped3A : memref<!tpu.dma_semaphore, #tpu.memory_space<semaphore_mem>>)
      %dma_wait3A_135 = arith.constant 0 : i32
      %dma_wait3A_136 = tpu.memref_slice %arg12[%dma_wait3A_135] : memref<528xi32, #tpu.memory_space<vmem>> -> memref<512xi32, #tpu.memory_space<vmem>>
      %dma_wait3A_137 = tpu.memref_slice %arg2[%mul3A_2] : memref<16384xi32, #tpu.memory_space<hbm>> -> memref<512xi32, #tpu.memory_space<hbm>>
      %dma_wait3A_138 = arith.constant 0 : i32
      %dma_wait3A_139 = tpu.memref_slice %arg12[%dma_wait3A_138] : memref<528xi32, #tpu.memory_space<vmem>> -> memref<512xi32, #tpu.memory_space<vmem>>
      %dma_wait3A_140 = tpu.memref_slice %arg2[%mul3A_2] : memref<16384xi32, #tpu.memory_space<hbm>> -> memref<512xi32, #tpu.memory_space<hbm>>
      tpu.wait_dma2 semaphore(%run_scoped3A : memref<!tpu.dma_semaphore, #tpu.memory_space<semaphore_mem>>) src(%dma_wait3A_140 : memref<512xi32, #tpu.memory_space<hbm>>) dst(%dma_wait3A_139 : memref<512xi32, #tpu.memory_space<vmem>>)
      tpu.yield
    }) : () -> ()
    "tpu.region"() ({
      %run_scoped3A = tpu.sem_alloc : memref<!tpu.dma_semaphore, #tpu.memory_space<semaphore_mem>>
      %dma_start3A = arith.constant 0 : i32
      %dma_start3A_130 = tpu.memref_slice %arg13[%dma_start3A] : memref<528xi32, #tpu.memory_space<vmem>> -> memref<512xi32, #tpu.memory_space<vmem>>
      %dma_start3A_131 = tpu.memref_slice %arg3[%mul3A_2] : memref<16384xi32, #tpu.memory_space<hbm>> -> memref<512xi32, #tpu.memory_space<hbm>>
      %dma_start3A_132 = arith.constant 0 : i32
      %dma_start3A_133 = tpu.memref_slice %arg13[%dma_start3A_132] : memref<528xi32, #tpu.memory_space<vmem>> -> memref<512xi32, #tpu.memory_space<vmem>>
      %dma_start3A_134 = tpu.memref_slice %arg3[%mul3A_2] : memref<16384xi32, #tpu.memory_space<hbm>> -> memref<512xi32, #tpu.memory_space<hbm>>
      tpu.enqueue_dma source(%dma_start3A_134 : memref<512xi32, #tpu.memory_space<hbm>>) target(%dma_start3A_133 : memref<512xi32, #tpu.memory_space<vmem>>) target_semaphore(%run_scoped3A : memref<!tpu.dma_semaphore, #tpu.memory_space<semaphore_mem>>)
      %dma_wait3A_135 = arith.constant 0 : i32
      %dma_wait3A_136 = tpu.memref_slice %arg13[%dma_wait3A_135] : memref<528xi32, #tpu.memory_space<vmem>> -> memref<512xi32, #tpu.memory_space<vmem>>
      %dma_wait3A_137 = tpu.memref_slice %arg3[%mul3A_2] : memref<16384xi32, #tpu.memory_space<hbm>> -> memref<512xi32, #tpu.memory_space<hbm>>
      %dma_wait3A_138 = arith.constant 0 : i32
      %dma_wait3A_139 = tpu.memref_slice %arg13[%dma_wait3A_138] : memref<528xi32, #tpu.memory_space<vmem>> -> memref<512xi32, #tpu.memory_space<vmem>>
      %dma_wait3A_140 = tpu.memref_slice %arg3[%mul3A_2] : memref<16384xi32, #tpu.memory_space<hbm>> -> memref<512xi32, #tpu.memory_space<hbm>>
      tpu.wait_dma2 semaphore(%run_scoped3A : memref<!tpu.dma_semaphore, #tpu.memory_space<semaphore_mem>>) src(%dma_wait3A_140 : memref<512xi32, #tpu.memory_space<hbm>>) dst(%dma_wait3A_139 : memref<512xi32, #tpu.memory_space<vmem>>)
      tpu.yield
    }) : () -> ()
    %iota3A = tpu.iota {dimensions = array<i32: 0>} : vector<16xi32>
    %add3A_3 = arith.constant 16 : i32
    %add3A_4 = vector.broadcast %add3A_3 : i32 to vector<16xi32>
    %add3A_5 = arith.addi %iota3A, %add3A_4 : vector<16xi32>
    %scan3A = arith.constant 0 : i32
    %scan3A_6 = arith.constant 0 : i32
    %scan3A_7 = arith.constant 516 : i32
    %scan3A_8 = arith.addi %scan3A_6, %scan3A_7 : i32
    %scan3A_9 = arith.constant 1 : i32
    scf.for %scan3A_130 = %scan3A_6 to %scan3A_8 step %scan3A_9  : i32 {
      %lt3A = arith.constant 512 : i32
      %lt3A_131 = arith.cmpi slt, %scan3A_130, %lt3A : i32
      %convert_element_type3A = arith.extui %lt3A_131 : i1 to i32
      %cond3A = arith.constant 0 : i32
      %cond3A_132 = arith.cmpi ne, %convert_element_type3A, %cond3A : i32
      scf.if %cond3A_132 {
        %rem3A = arith.constant 5 : i32
        %rem3A_138 = arith.remsi %scan3A_130, %rem3A : i32
        %get3A = arith.index_cast %scan3A_130 : i32 to index
        %get3A_139 = tpu.vector_load %arg12[%get3A] {strides = array<i32>} : memref<528xi32, #tpu.memory_space<vmem>>, vector<16xi32>,
        %slice3A = vector.extract_strided_slice %get3A_139 {offsets = [0], sizes = [1], strides = [1]} : vector<16xi32> to vector<1xi32>
        %squeeze3A = vector.extract %slice3A[0] : i32 from vector<1xi32>
        %get3A_140 = arith.index_cast %scan3A_130 : i32 to index
        %get3A_141 = tpu.vector_load %arg13[%get3A_140] {strides = array<i32>} : memref<528xi32, #tpu.memory_space<vmem>>, vector<16xi32>,
        %slice3A_142 = vector.extract_strided_slice %get3A_141 {offsets = [0], sizes = [1], strides = [1]} : vector<16xi32> to vector<1xi32>
        %squeeze3A_143 = vector.extract %slice3A_142[0] : i32 from vector<1xi32>
        %jit3A = arith.constant 128 : i32
        %div3A = arith.divsi %squeeze3A, %jit3A : i32
        %sign3A = arith.constant 0 : i32
        %sign3A_144 = arith.cmpi sgt, %squeeze3A, %sign3A : i32
        %sign3A_145 = arith.extui %sign3A_144 : i1 to i32
        %sign3A_146 = arith.constant 0 : i32
        %sign3A_147 = arith.cmpi slt, %squeeze3A, %sign3A_146 : i32
        %sign3A_148 = arith.extui %sign3A_147 : i1 to i32
        %sign3A_149 = arith.subi %sign3A_145, %sign3A_148 : i32
        %sign3A_150 = arith.constant 0 : i32
        %sign3A_151 = arith.cmpi sgt, %jit3A, %sign3A_150 : i32
        %sign3A_152 = arith.extui %sign3A_151 : i1 to i32
        %sign3A_153 = arith.constant 0 : i32
        %sign3A_154 = arith.cmpi slt, %jit3A, %sign3A_153 : i32
        %sign3A_155 = arith.extui %sign3A_154 : i1 to i32
        %sign3A_156 = arith.subi %sign3A_152, %sign3A_155 : i32
        %ne3A = arith.cmpi ne, %sign3A_149, %sign3A_156 : i32
        %rem3A_157 = arith.remsi %squeeze3A, %jit3A : i32
        %ne3A_158 = arith.constant 0 : i32
        %ne3A_159 = arith.cmpi ne, %rem3A_157, %ne3A_158 : i32
        %and3A = arith.andi %ne3A, %ne3A_159 : i1
        %sub3A_160 = arith.constant 1 : i32
        %sub3A_161 = arith.subi %div3A, %sub3A_160 : i32
        %select_n3A = arith.select %and3A, %sub3A_161, %div3A : i32
        %mul3A_162 = arith.constant 128 : i32
        %mul3A_163 = arith.muli %select_n3A, %mul3A_162 : i32
        %multiple_of3A = tpu.assume_multiple %mul3A_163, 128 : i32
        %jit3A_164 = arith.constant 128 : i32
        %div3A_165 = arith.divsi %squeeze3A_143, %jit3A_164 : i32
        %sign3A_166 = arith.constant 0 : i32
        %sign3A_167 = arith.cmpi sgt, %squeeze3A_143, %sign3A_166 : i32
        %sign3A_168 = arith.extui %sign3A_167 : i1 to i32
        %sign3A_169 = arith.constant 0 : i32
        %sign3A_170 = arith.cmpi slt, %squeeze3A_143, %sign3A_169 : i32
        %sign3A_171 = arith.extui %sign3A_170 : i1 to i32
        %sign3A_172 = arith.subi %sign3A_168, %sign3A_171 : i32
        %sign3A_173 = arith.constant 0 : i32
        %sign3A_174 = arith.cmpi sgt, %jit3A_164, %sign3A_173 : i32
        %sign3A_175 = arith.extui %sign3A_174 : i1 to i32
        %sign3A_176 = arith.constant 0 : i32
        %sign3A_177 = arith.cmpi slt, %jit3A_164, %sign3A_176 : i32
        %sign3A_178 = arith.extui %sign3A_177 : i1 to i32
        %sign3A_179 = arith.subi %sign3A_175, %sign3A_178 : i32
        %ne3A_180 = arith.cmpi ne, %sign3A_172, %sign3A_179 : i32
        %rem3A_181 = arith.remsi %squeeze3A_143, %jit3A_164 : i32
        %ne3A_182 = arith.constant 0 : i32
        %ne3A_183 = arith.cmpi ne, %rem3A_181, %ne3A_182 : i32
        %and3A_184 = arith.andi %ne3A_180, %ne3A_183 : i1
        %sub3A_185 = arith.constant 1 : i32
        %sub3A_186 = arith.subi %div3A_165, %sub3A_185 : i32
        %select_n3A_187 = arith.select %and3A_184, %sub3A_186, %div3A_165 : i32
        %mul3A_188 = arith.constant 128 : i32
        %mul3A_189 = arith.muli %select_n3A_187, %mul3A_188 : i32
        %multiple_of3A_190 = tpu.assume_multiple %mul3A_189, 128 : i32
        %dma_start3A = arith.constant 0 : i32
        %dma_start3A_191 = arith.constant 0 : i32
        %dma_start3A_192 = tpu.memref_slice %arg14[%rem3A_138, %dma_start3A, %dma_start3A_191] : memref<5x32x128xf32, #tpu.memory_space<vmem>> -> memref<1x32x128xf32, #tpu.memory_space<vmem>>
        %dma_start3A_193 = tpu.memref_squeeze %dma_start3A_192 : memref<1x32x128xf32, #tpu.memory_space<vmem>> -> memref<32x128xf32, #tpu.memory_space<vmem>>
        %dma_start3A_194 = arith.constant 0 : i32
        %dma_start3A_195 = tpu.memref_slice %arg4[%dma_start3A_194, %multiple_of3A] : memref<32x1000000xf32, #tpu.memory_space<hbm>> -> memref<32x128xf32, #tpu.memory_space<hbm>>
        %dma_start3A_196 = tpu.memref_slice %arg22[%rem3A_138] : memref<5x!tpu.dma_semaphore, #tpu.memory_space<semaphore_mem>> -> memref<1x!tpu.dma_semaphore, #tpu.memory_space<semaphore_mem>>
        %dma_start3A_197 = tpu.memref_squeeze %dma_start3A_196 : memref<1x!tpu.dma_semaphore, #tpu.memory_space<semaphore_mem>> -> memref<!tpu.dma_semaphore, #tpu.memory_space<semaphore_mem>>
        %dma_start3A_198 = arith.constant 0 : i32
        %dma_start3A_199 = arith.constant 0 : i32
        %dma_start3A_200 = tpu.memref_slice %arg14[%rem3A_138, %dma_start3A_198, %dma_start3A_199] : memref<5x32x128xf32, #tpu.memory_space<vmem>> -> memref<1x32x128xf32, #tpu.memory_space<vmem>>
        %dma_start3A_201 = tpu.memref_squeeze %dma_start3A_200 : memref<1x32x128xf32, #tpu.memory_space<vmem>> -> memref<32x128xf32, #tpu.memory_space<vmem>>
        %dma_start3A_202 = arith.constant 0 : i32
        %dma_start3A_203 = tpu.memref_slice %arg4[%dma_start3A_202, %multiple_of3A] : memref<32x1000000xf32, #tpu.memory_space<hbm>> -> memref<32x128xf32, #tpu.memory_space<hbm>>
        tpu.enqueue_dma source(%dma_start3A_203 : memref<32x128xf32, #tpu.memory_space<hbm>>) target(%dma_start3A_201 : memref<32x128xf32, #tpu.memory_space<vmem>>) target_semaphore(%dma_start3A_197 : memref<!tpu.dma_semaphore, #tpu.memory_space<semaphore_mem>>)
        %dma_start3A_204 = arith.constant 0 : i32
        %dma_start3A_205 = arith.constant 0 : i32
        %dma_start3A_206 = tpu.memref_slice %arg15[%rem3A_138, %dma_start3A_204, %dma_start3A_205] : memref<5x32x128xf32, #tpu.memory_space<vmem>> -> memref<1x32x128xf32, #tpu.memory_space<vmem>>
        %dma_start3A_207 = tpu.memref_squeeze %dma_start3A_206 : memref<1x32x128xf32, #tpu.memory_space<vmem>> -> memref<32x128xf32, #tpu.memory_space<vmem>>
        %dma_start3A_208 = arith.constant 0 : i32
        %dma_start3A_209 = tpu.memref_slice %arg5[%dma_start3A_208, %multiple_of3A_190] : memref<32x1000000xf32, #tpu.memory_space<hbm>> -> memref<32x128xf32, #tpu.memory_space<hbm>>
        %dma_start3A_210 = tpu.memref_slice %arg23[%rem3A_138] : memref<5x!tpu.dma_semaphore, #tpu.memory_space<semaphore_mem>> -> memref<1x!tpu.dma_semaphore, #tpu.memory_space<semaphore_mem>>
        %dma_start3A_211 = tpu.memref_squeeze %dma_start3A_210 : memref<1x!tpu.dma_semaphore, #tpu.memory_space<semaphore_mem>> -> memref<!tpu.dma_semaphore, #tpu.memory_space<semaphore_mem>>
        %dma_start3A_212 = arith.constant 0 : i32
        %dma_start3A_213 = arith.constant 0 : i32
        %dma_start3A_214 = tpu.memref_slice %arg15[%rem3A_138, %dma_start3A_212, %dma_start3A_213] : memref<5x32x128xf32, #tpu.memory_space<vmem>> -> memref<1x32x128xf32, #tpu.memory_space<vmem>>
        %dma_start3A_215 = tpu.memref_squeeze %dma_start3A_214 : memref<1x32x128xf32, #tpu.memory_space<vmem>> -> memref<32x128xf32, #tpu.memory_space<vmem>>
        %dma_start3A_216 = arith.constant 0 : i32
        %dma_start3A_217 = tpu.memref_slice %arg5[%dma_start3A_216, %multiple_of3A_190] : memref<32x1000000xf32, #tpu.memory_space<hbm>> -> memref<32x128xf32, #tpu.memory_space<hbm>>
        tpu.enqueue_dma source(%dma_start3A_217 : memref<32x128xf32, #tpu.memory_space<hbm>>) target(%dma_start3A_215 : memref<32x128xf32, #tpu.memory_space<vmem>>) target_semaphore(%dma_start3A_211 : memref<!tpu.dma_semaphore, #tpu.memory_space<semaphore_mem>>)
        %dma_start3A_218 = arith.constant 0 : i32
        %dma_start3A_219 = arith.constant 0 : i32
        %dma_start3A_220 = tpu.memref_slice %arg16[%rem3A_138, %dma_start3A_218, %dma_start3A_219] : memref<5x32x128xf32, #tpu.memory_space<vmem>> -> memref<1x32x128xf32, #tpu.memory_space<vmem>>
        %dma_start3A_221 = tpu.memref_squeeze %dma_start3A_220 : memref<1x32x128xf32, #tpu.memory_space<vmem>> -> memref<32x128xf32, #tpu.memory_space<vmem>>
        %dma_start3A_222 = arith.constant 0 : i32
        %dma_start3A_223 = tpu.memref_slice %arg6[%dma_start3A_222, %multiple_of3A] : memref<32x1000000xf32, #tpu.memory_space<hbm>> -> memref<32x128xf32, #tpu.memory_space<hbm>>
        %dma_start3A_224 = tpu.memref_slice %arg24[%rem3A_138] : memref<5x!tpu.dma_semaphore, #tpu.memory_space<semaphore_mem>> -> memref<1x!tpu.dma_semaphore, #tpu.memory_space<semaphore_mem>>
        %dma_start3A_225 = tpu.memref_squeeze %dma_start3A_224 : memref<1x!tpu.dma_semaphore, #tpu.memory_space<semaphore_mem>> -> memref<!tpu.dma_semaphore, #tpu.memory_space<semaphore_mem>>
        %dma_start3A_226 = arith.constant 0 : i32
        %dma_start3A_227 = arith.constant 0 : i32
        %dma_start3A_228 = tpu.memref_slice %arg16[%rem3A_138, %dma_start3A_226, %dma_start3A_227] : memref<5x32x128xf32, #tpu.memory_space<vmem>> -> memref<1x32x128xf32, #tpu.memory_space<vmem>>
        %dma_start3A_229 = tpu.memref_squeeze %dma_start3A_228 : memref<1x32x128xf32, #tpu.memory_space<vmem>> -> memref<32x128xf32, #tpu.memory_space<vmem>>
        %dma_start3A_230 = arith.constant 0 : i32
        %dma_start3A_231 = tpu.memref_slice %arg6[%dma_start3A_230, %multiple_of3A] : memref<32x1000000xf32, #tpu.memory_space<hbm>> -> memref<32x128xf32, #tpu.memory_space<hbm>>
        tpu.enqueue_dma source(%dma_start3A_231 : memref<32x128xf32, #tpu.memory_space<hbm>>) target(%dma_start3A_229 : memref<32x128xf32, #tpu.memory_space<vmem>>) target_semaphore(%dma_start3A_225 : memref<!tpu.dma_semaphore, #tpu.memory_space<semaphore_mem>>)
        %dma_start3A_232 = arith.constant 0 : i32
        %dma_start3A_233 = arith.constant 0 : i32
        %dma_start3A_234 = tpu.memref_slice %arg17[%rem3A_138, %dma_start3A_232, %dma_start3A_233] : memref<5x32x128xf32, #tpu.memory_space<vmem>> -> memref<1x32x128xf32, #tpu.memory_space<vmem>>
        %dma_start3A_235 = tpu.memref_squeeze %dma_start3A_234 : memref<1x32x128xf32, #tpu.memory_space<vmem>> -> memref<32x128xf32, #tpu.memory_space<vmem>>
        %dma_start3A_236 = arith.constant 0 : i32
        %dma_start3A_237 = tpu.memref_slice %arg7[%dma_start3A_236, %multiple_of3A_190] : memref<32x1000000xf32, #tpu.memory_space<hbm>> -> memref<32x128xf32, #tpu.memory_space<hbm>>
        %dma_start3A_238 = tpu.memref_slice %arg25[%rem3A_138] : memref<5x!tpu.dma_semaphore, #tpu.memory_space<semaphore_mem>> -> memref<1x!tpu.dma_semaphore, #tpu.memory_space<semaphore_mem>>
        %dma_start3A_239 = tpu.memref_squeeze %dma_start3A_238 : memref<1x!tpu.dma_semaphore, #tpu.memory_space<semaphore_mem>> -> memref<!tpu.dma_semaphore, #tpu.memory_space<semaphore_mem>>
        %dma_start3A_240 = arith.constant 0 : i32
        %dma_start3A_241 = arith.constant 0 : i32
        %dma_start3A_242 = tpu.memref_slice %arg17[%rem3A_138, %dma_start3A_240, %dma_start3A_241] : memref<5x32x128xf32, #tpu.memory_space<vmem>> -> memref<1x32x128xf32, #tpu.memory_space<vmem>>
        %dma_start3A_243 = tpu.memref_squeeze %dma_start3A_242 : memref<1x32x128xf32, #tpu.memory_space<vmem>> -> memref<32x128xf32, #tpu.memory_space<vmem>>
        %dma_start3A_244 = arith.constant 0 : i32
        %dma_start3A_245 = tpu.memref_slice %arg7[%dma_start3A_244, %multiple_of3A_190] : memref<32x1000000xf32, #tpu.memory_space<hbm>> -> memref<32x128xf32, #tpu.memory_space<hbm>>
        tpu.enqueue_dma source(%dma_start3A_245 : memref<32x128xf32, #tpu.memory_space<hbm>>) target(%dma_start3A_243 : memref<32x128xf32, #tpu.memory_space<vmem>>) target_semaphore(%dma_start3A_239 : memref<!tpu.dma_semaphore, #tpu.memory_space<semaphore_mem>>)
      } else {
      }
      %sub3A = arith.constant 4 : i32
      %sub3A_133 = arith.subi %scan3A_130, %sub3A : i32
      %ge3A = arith.constant 0 : i32
      %ge3A_134 = arith.cmpi sge, %sub3A_133, %ge3A : i32
      %convert_element_type3A_135 = arith.extui %ge3A_134 : i1 to i32
      %cond3A_136 = arith.constant 0 : i32
      %cond3A_137 = arith.cmpi ne, %convert_element_type3A_135, %cond3A_136 : i32
      scf.if %cond3A_137 {
        %rem3A = arith.constant 5 : i32
        %rem3A_138 = arith.remsi %sub3A_133, %rem3A : i32
        %jit3A = arith.constant 128 : i32
        %div3A = arith.divsi %sub3A_133, %jit3A : i32
        %sign3A = arith.constant 0 : i32
        %sign3A_139 = arith.cmpi sgt, %sub3A_133, %sign3A : i32
        %sign3A_140 = arith.extui %sign3A_139 : i1 to i32
        %sign3A_141 = arith.constant 0 : i32
        %sign3A_142 = arith.cmpi slt, %sub3A_133, %sign3A_141 : i32
        %sign3A_143 = arith.extui %sign3A_142 : i1 to i32
        %sign3A_144 = arith.subi %sign3A_140, %sign3A_143 : i32
        %sign3A_145 = arith.constant 0 : i32
        %sign3A_146 = arith.cmpi sgt, %jit3A, %sign3A_145 : i32
        %sign3A_147 = arith.extui %sign3A_146 : i1 to i32
        %sign3A_148 = arith.constant 0 : i32
        %sign3A_149 = arith.cmpi slt, %jit3A, %sign3A_148 : i32
        %sign3A_150 = arith.extui %sign3A_149 : i1 to i32
        %sign3A_151 = arith.subi %sign3A_147, %sign3A_150 : i32
        %ne3A = arith.cmpi ne, %sign3A_144, %sign3A_151 : i32
        %rem3A_152 = arith.remsi %sub3A_133, %jit3A : i32
        %ne3A_153 = arith.constant 0 : i32
        %ne3A_154 = arith.cmpi ne, %rem3A_152, %ne3A_153 : i32
        %and3A = arith.andi %ne3A, %ne3A_154 : i1
        %sub3A_155 = arith.constant 1 : i32
        %sub3A_156 = arith.subi %div3A, %sub3A_155 : i32
        %select_n3A = arith.select %and3A, %sub3A_156, %div3A : i32
        %rem3A_157 = arith.constant 2 : i32
        %rem3A_158 = arith.remsi %select_n3A, %rem3A_157 : i32
        %broadcast_in_dim3A = vector.broadcast %rem3A_138 : i32 to vector<16xi32>
        %broadcast_in_dim3A_159 = vector.broadcast %rem3A_158 : i32 to vector<16xi32>
        %rem3A_160 = arith.constant 128 : i32
        %rem3A_161 = arith.remsi %sub3A_133, %rem3A_160 : i32
        %broadcast_in_dim3A_162 = vector.broadcast %rem3A_161 : i32 to vector<16xi32>
        %get3A = arith.index_cast %sub3A_133 : i32 to index
        %get3A_163 = tpu.vector_load %arg12[%get3A] {strides = array<i32>} : memref<528xi32, #tpu.memory_space<vmem>>, vector<16xi32>,
        %slice3A = vector.extract_strided_slice %get3A_163 {offsets = [0], sizes = [1], strides = [1]} : vector<16xi32> to vector<1xi32>
        %squeeze3A = vector.extract %slice3A[0] : i32 from vector<1xi32>
        %jit3A_164 = arith.constant 128 : i32
        %eq3A = arith.constant 0 : i32
        %eq3A_165 = arith.cmpi eq, %jit3A_164, %eq3A : i32
        %jit3A_166 = arith.constant 1 : i32
        %select_n3A_167 = arith.select %eq3A_165, %jit3A_166, %jit3A_164 : i32
        %rem3A_168 = arith.remsi %squeeze3A, %select_n3A_167 : i32
        %ne3A_169 = arith.constant 0 : i32
        %ne3A_170 = arith.cmpi ne, %rem3A_168, %ne3A_169 : i32
        %lt3A_171 = arith.constant 0 : i32
        %lt3A_172 = arith.cmpi slt, %rem3A_168, %lt3A_171 : i32
        %lt3A_173 = arith.constant 0 : i32
        %lt3A_174 = arith.cmpi slt, %select_n3A_167, %lt3A_173 : i32
        %ne3A_175 = arith.xori %lt3A_172, %lt3A_174 : i1
        %and3A_176 = arith.andi %ne3A_175, %ne3A_170 : i1
        %add3A_177 = arith.addi %rem3A_168, %select_n3A_167 : i32
        %select_n3A_178 = arith.select %and3A_176, %add3A_177, %rem3A_168 : i32
        %broadcast_in_dim3A_179 = vector.broadcast %select_n3A_178 : i32 to vector<16xi32>
        %get3A_180 = arith.index_cast %sub3A_133 : i32 to index
        %get3A_181 = tpu.vector_load %arg13[%get3A_180] {strides = array<i32>} : memref<528xi32, #tpu.memory_space<vmem>>, vector<16xi32>,
        %slice3A_182 = vector.extract_strided_slice %get3A_181 {offsets = [0], sizes = [1], strides = [1]} : vector<16xi32> to vector<1xi32>
        %squeeze3A_183 = vector.extract %slice3A_182[0] : i32 from vector<1xi32>
        %jit3A_184 = arith.constant 128 : i32
        %eq3A_185 = arith.constant 0 : i32
        %eq3A_186 = arith.cmpi eq, %jit3A_184, %eq3A_185 : i32
        %jit3A_187 = arith.constant 1 : i32
        %select_n3A_188 = arith.select %eq3A_186, %jit3A_187, %jit3A_184 : i32
        %rem3A_189 = arith.remsi %squeeze3A_183, %select_n3A_188 : i32
        %ne3A_190 = arith.constant 0 : i32
        %ne3A_191 = arith.cmpi ne, %rem3A_189, %ne3A_190 : i32
        %lt3A_192 = arith.constant 0 : i32
        %lt3A_193 = arith.cmpi slt, %rem3A_189, %lt3A_192 : i32
        %lt3A_194 = arith.constant 0 : i32
        %lt3A_195 = arith.cmpi slt, %select_n3A_188, %lt3A_194 : i32
        %ne3A_196 = arith.xori %lt3A_193, %lt3A_195 : i1
        %and3A_197 = arith.andi %ne3A_196, %ne3A_191 : i1
        %add3A_198 = arith.addi %rem3A_189, %select_n3A_188 : i32
        %select_n3A_199 = arith.select %and3A_197, %add3A_198, %rem3A_189 : i32
        %broadcast_in_dim3A_200 = vector.broadcast %select_n3A_199 : i32 to vector<16xi32>
        %rem3A_201 = arith.constant 128 : i32
        %rem3A_202 = arith.remsi %sub3A_133, %rem3A_201 : i32
        %eq3A_203 = arith.constant 0 : i32
        %eq3A_204 = arith.cmpi eq, %rem3A_202, %eq3A_203 : i32
        %ge3A_205 = arith.constant 256 : i32
        %ge3A_206 = arith.cmpi sge, %sub3A_133, %ge3A_205 : i32
        %and3A_207 = arith.andi %eq3A_204, %ge3A_206 : i1
        %convert_element_type3A_208 = arith.extui %and3A_207 : i1 to i32
        %cond3A_209 = arith.constant 0 : i32
        %cond3A_210 = arith.cmpi ne, %convert_element_type3A_208, %cond3A_209 : i32
        scf.if %cond3A_210 {
          %dma_wait3A_293 = arith.constant 0 : i32
          %dma_wait3A_294 = arith.constant 0 : i32
          %dma_wait3A_295 = arith.constant 0 : i32
          %dma_wait3A_296 = tpu.memref_slice %arg18[%dma_wait3A_293, %dma_wait3A_294, %dma_wait3A_295] : memref<2x32x128xf32, #tpu.memory_space<vmem>> -> memref<1x32x128xf32, #tpu.memory_space<vmem>>
          %dma_wait3A_297 = tpu.memref_squeeze %dma_wait3A_296 : memref<1x32x128xf32, #tpu.memory_space<vmem>> -> memref<32x128xf32, #tpu.memory_space<vmem>>
          %dma_wait3A_298 = arith.constant 0 : i32
          %dma_wait3A_299 = arith.constant 0 : i32
          %dma_wait3A_300 = tpu.memref_slice %arg4[%dma_wait3A_298, %dma_wait3A_299] : memref<32x1000000xf32, #tpu.memory_space<hbm>> -> memref<32x128xf32, #tpu.memory_space<hbm>>
          %dma_wait3A_301 = arith.constant 0 : i32
          %dma_wait3A_302 = arith.constant 0 : i32
          %dma_wait3A_303 = tpu.memref_slice %arg18[%dma_wait3A_293, %dma_wait3A_301, %dma_wait3A_302] : memref<2x32x128xf32, #tpu.memory_space<vmem>> -> memref<1x32x128xf32, #tpu.memory_space<vmem>>
          %dma_wait3A_304 = tpu.memref_squeeze %dma_wait3A_303 : memref<1x32x128xf32, #tpu.memory_space<vmem>> -> memref<32x128xf32, #tpu.memory_space<vmem>>
          %dma_wait3A_305 = arith.constant 0 : i32
          %dma_wait3A_306 = arith.constant 0 : i32
          %dma_wait3A_307 = tpu.memref_slice %arg4[%dma_wait3A_305, %dma_wait3A_306] : memref<32x1000000xf32, #tpu.memory_space<hbm>> -> memref<32x128xf32, #tpu.memory_space<hbm>>
          tpu.wait_dma2 semaphore(%arg26 : memref<!tpu.dma_semaphore, #tpu.memory_space<semaphore_mem>>) src(%dma_wait3A_307 : memref<32x128xf32, #tpu.memory_space<hbm>>) dst(%dma_wait3A_304 : memref<32x128xf32, #tpu.memory_space<vmem>>)
          %dma_wait3A_308 = arith.constant 0 : i32
          %dma_wait3A_309 = arith.constant 0 : i32
          %dma_wait3A_310 = arith.constant 0 : i32
          %dma_wait3A_311 = tpu.memref_slice %arg19[%dma_wait3A_308, %dma_wait3A_309, %dma_wait3A_310] : memref<2x32x128xf32, #tpu.memory_space<vmem>> -> memref<1x32x128xf32, #tpu.memory_space<vmem>>
          %dma_wait3A_312 = tpu.memref_squeeze %dma_wait3A_311 : memref<1x32x128xf32, #tpu.memory_space<vmem>> -> memref<32x128xf32, #tpu.memory_space<vmem>>
          %dma_wait3A_313 = arith.constant 0 : i32
          %dma_wait3A_314 = arith.constant 0 : i32
          %dma_wait3A_315 = tpu.memref_slice %arg5[%dma_wait3A_313, %dma_wait3A_314] : memref<32x1000000xf32, #tpu.memory_space<hbm>> -> memref<32x128xf32, #tpu.memory_space<hbm>>
          %dma_wait3A_316 = arith.constant 0 : i32
          %dma_wait3A_317 = arith.constant 0 : i32
          %dma_wait3A_318 = tpu.memref_slice %arg19[%dma_wait3A_308, %dma_wait3A_316, %dma_wait3A_317] : memref<2x32x128xf32, #tpu.memory_space<vmem>> -> memref<1x32x128xf32, #tpu.memory_space<vmem>>
          %dma_wait3A_319 = tpu.memref_squeeze %dma_wait3A_318 : memref<1x32x128xf32, #tpu.memory_space<vmem>> -> memref<32x128xf32, #tpu.memory_space<vmem>>
          %dma_wait3A_320 = arith.constant 0 : i32
          %dma_wait3A_321 = arith.constant 0 : i32
          %dma_wait3A_322 = tpu.memref_slice %arg5[%dma_wait3A_320, %dma_wait3A_321] : memref<32x1000000xf32, #tpu.memory_space<hbm>> -> memref<32x128xf32, #tpu.memory_space<hbm>>
          tpu.wait_dma2 semaphore(%arg27 : memref<!tpu.dma_semaphore, #tpu.memory_space<semaphore_mem>>) src(%dma_wait3A_322 : memref<32x128xf32, #tpu.memory_space<hbm>>) dst(%dma_wait3A_319 : memref<32x128xf32, #tpu.memory_space<vmem>>)
          %dma_wait3A_323 = arith.constant 0 : i32
          %dma_wait3A_324 = arith.constant 0 : i32
          %dma_wait3A_325 = arith.constant 0 : i32
          %dma_wait3A_326 = tpu.memref_slice %arg20[%dma_wait3A_323, %dma_wait3A_324, %dma_wait3A_325] : memref<2x32x128xf32, #tpu.memory_space<vmem>> -> memref<1x32x128xf32, #tpu.memory_space<vmem>>
          %dma_wait3A_327 = tpu.memref_squeeze %dma_wait3A_326 : memref<1x32x128xf32, #tpu.memory_space<vmem>> -> memref<32x128xf32, #tpu.memory_space<vmem>>
          %dma_wait3A_328 = arith.constant 0 : i32
          %dma_wait3A_329 = arith.constant 0 : i32
          %dma_wait3A_330 = tpu.memref_slice %arg6[%dma_wait3A_328, %dma_wait3A_329] : memref<32x1000000xf32, #tpu.memory_space<hbm>> -> memref<32x128xf32, #tpu.memory_space<hbm>>
          %dma_wait3A_331 = arith.constant 0 : i32
          %dma_wait3A_332 = arith.constant 0 : i32
          %dma_wait3A_333 = tpu.memref_slice %arg20[%dma_wait3A_323, %dma_wait3A_331, %dma_wait3A_332] : memref<2x32x128xf32, #tpu.memory_space<vmem>> -> memref<1x32x128xf32, #tpu.memory_space<vmem>>
          %dma_wait3A_334 = tpu.memref_squeeze %dma_wait3A_333 : memref<1x32x128xf32, #tpu.memory_space<vmem>> -> memref<32x128xf32, #tpu.memory_space<vmem>>
          %dma_wait3A_335 = arith.constant 0 : i32
          %dma_wait3A_336 = arith.constant 0 : i32
          %dma_wait3A_337 = tpu.memref_slice %arg6[%dma_wait3A_335, %dma_wait3A_336] : memref<32x1000000xf32, #tpu.memory_space<hbm>> -> memref<32x128xf32, #tpu.memory_space<hbm>>
          tpu.wait_dma2 semaphore(%arg28 : memref<!tpu.dma_semaphore, #tpu.memory_space<semaphore_mem>>) src(%dma_wait3A_337 : memref<32x128xf32, #tpu.memory_space<hbm>>) dst(%dma_wait3A_334 : memref<32x128xf32, #tpu.memory_space<vmem>>)
          %dma_wait3A_338 = arith.constant 0 : i32
          %dma_wait3A_339 = arith.constant 0 : i32
          %dma_wait3A_340 = arith.constant 0 : i32
          %dma_wait3A_341 = tpu.memref_slice %arg21[%dma_wait3A_338, %dma_wait3A_339, %dma_wait3A_340] : memref<2x32x128xf32, #tpu.memory_space<vmem>> -> memref<1x32x128xf32, #tpu.memory_space<vmem>>
          %dma_wait3A_342 = tpu.memref_squeeze %dma_wait3A_341 : memref<1x32x128xf32, #tpu.memory_space<vmem>> -> memref<32x128xf32, #tpu.memory_space<vmem>>
          %dma_wait3A_343 = arith.constant 0 : i32
          %dma_wait3A_344 = arith.constant 0 : i32
          %dma_wait3A_345 = tpu.memref_slice %arg7[%dma_wait3A_343, %dma_wait3A_344] : memref<32x1000000xf32, #tpu.memory_space<hbm>> -> memref<32x128xf32, #tpu.memory_space<hbm>>
          %dma_wait3A_346 = arith.constant 0 : i32
          %dma_wait3A_347 = arith.constant 0 : i32
          %dma_wait3A_348 = tpu.memref_slice %arg21[%dma_wait3A_338, %dma_wait3A_346, %dma_wait3A_347] : memref<2x32x128xf32, #tpu.memory_space<vmem>> -> memref<1x32x128xf32, #tpu.memory_space<vmem>>
          %dma_wait3A_349 = tpu.memref_squeeze %dma_wait3A_348 : memref<1x32x128xf32, #tpu.memory_space<vmem>> -> memref<32x128xf32, #tpu.memory_space<vmem>>
          %dma_wait3A_350 = arith.constant 0 : i32
          %dma_wait3A_351 = arith.constant 0 : i32
          %dma_wait3A_352 = tpu.memref_slice %arg7[%dma_wait3A_350, %dma_wait3A_351] : memref<32x1000000xf32, #tpu.memory_space<hbm>> -> memref<32x128xf32, #tpu.memory_space<hbm>>
          tpu.wait_dma2 semaphore(%arg29 : memref<!tpu.dma_semaphore, #tpu.memory_space<semaphore_mem>>) src(%dma_wait3A_352 : memref<32x128xf32, #tpu.memory_space<hbm>>) dst(%dma_wait3A_349 : memref<32x128xf32, #tpu.memory_space<vmem>>)
        } else {
        }
        %dma_wait3A_211 = arith.constant 0 : i32
        %dma_wait3A_212 = arith.constant 0 : i32
        %dma_wait3A_213 = arith.constant 0 : i32
        %dma_wait3A_214 = tpu.memref_slice %arg14[%dma_wait3A_211, %dma_wait3A_212, %dma_wait3A_213] : memref<5x32x128xf32, #tpu.memory_space<vmem>> -> memref<1x32x128xf32, #tpu.memory_space<vmem>>
        %dma_wait3A_215 = tpu.memref_squeeze %dma_wait3A_214 : memref<1x32x128xf32, #tpu.memory_space<vmem>> -> memref<32x128xf32, #tpu.memory_space<vmem>>
        %dma_wait3A_216 = arith.constant 0 : i32
        %dma_wait3A_217 = arith.constant 0 : i32
        %dma_wait3A_218 = tpu.memref_slice %arg4[%dma_wait3A_216, %dma_wait3A_217] : memref<32x1000000xf32, #tpu.memory_space<hbm>> -> memref<32x128xf32, #tpu.memory_space<hbm>>
        %dma_wait3A_219 = tpu.memref_slice %arg22[%rem3A_138] : memref<5x!tpu.dma_semaphore, #tpu.memory_space<semaphore_mem>> -> memref<1x!tpu.dma_semaphore, #tpu.memory_space<semaphore_mem>>
        %dma_wait3A_220 = tpu.memref_squeeze %dma_wait3A_219 : memref<1x!tpu.dma_semaphore, #tpu.memory_space<semaphore_mem>> -> memref<!tpu.dma_semaphore, #tpu.memory_space<semaphore_mem>>
        %dma_wait3A_221 = arith.constant 0 : i32
        %dma_wait3A_222 = arith.constant 0 : i32
        %dma_wait3A_223 = tpu.memref_slice %arg14[%dma_wait3A_211, %dma_wait3A_221, %dma_wait3A_222] : memref<5x32x128xf32, #tpu.memory_space<vmem>> -> memref<1x32x128xf32, #tpu.memory_space<vmem>>
        %dma_wait3A_224 = tpu.memref_squeeze %dma_wait3A_223 : memref<1x32x128xf32, #tpu.memory_space<vmem>> -> memref<32x128xf32, #tpu.memory_space<vmem>>
        %dma_wait3A_225 = arith.constant 0 : i32
        %dma_wait3A_226 = arith.constant 0 : i32
        %dma_wait3A_227 = tpu.memref_slice %arg4[%dma_wait3A_225, %dma_wait3A_226] : memref<32x1000000xf32, #tpu.memory_space<hbm>> -> memref<32x128xf32, #tpu.memory_space<hbm>>
        tpu.wait_dma2 semaphore(%dma_wait3A_220 : memref<!tpu.dma_semaphore, #tpu.memory_space<semaphore_mem>>) src(%dma_wait3A_227 : memref<32x128xf32, #tpu.memory_space<hbm>>) dst(%dma_wait3A_224 : memref<32x128xf32, #tpu.memory_space<vmem>>)
        %gather3A = tpu.vector_load_idx %arg14[%broadcast_in_dim3A, %iota3A, %broadcast_in_dim3A_179] : memref<5x32x128xf32, #tpu.memory_space<vmem>>[vector<16xi32>, vector<16xi32>, vector<16xi32>], vector<16xf32>,
        tpu.vector_store_idx %arg18[%broadcast_in_dim3A_159, %iota3A, %broadcast_in_dim3A_162], %gather3A : memref<2x32x128xf32, #tpu.memory_space<vmem>>[vector<16xi32>, vector<16xi32>, vector<16xi32>], vector<16xf32>,
        %gather3A_228 = tpu.vector_load_idx %arg14[%broadcast_in_dim3A, %add3A_5, %broadcast_in_dim3A_179] : memref<5x32x128xf32, #tpu.memory_space<vmem>>[vector<16xi32>, vector<16xi32>, vector<16xi32>], vector<16xf32>,
        tpu.vector_store_idx %arg18[%broadcast_in_dim3A_159, %add3A_5, %broadcast_in_dim3A_162], %gather3A_228 : memref<2x32x128xf32, #tpu.memory_space<vmem>>[vector<16xi32>, vector<16xi32>, vector<16xi32>], vector<16xf32>,
        %dma_wait3A_229 = arith.constant 0 : i32
        %dma_wait3A_230 = arith.constant 0 : i32
        %dma_wait3A_231 = arith.constant 0 : i32
        %dma_wait3A_232 = tpu.memref_slice %arg15[%dma_wait3A_229, %dma_wait3A_230, %dma_wait3A_231] : memref<5x32x128xf32, #tpu.memory_space<vmem>> -> memref<1x32x128xf32, #tpu.memory_space<vmem>>
        %dma_wait3A_233 = tpu.memref_squeeze %dma_wait3A_232 : memref<1x32x128xf32, #tpu.memory_space<vmem>> -> memref<32x128xf32, #tpu.memory_space<vmem>>
        %dma_wait3A_234 = arith.constant 0 : i32
        %dma_wait3A_235 = arith.constant 0 : i32
        %dma_wait3A_236 = tpu.memref_slice %arg5[%dma_wait3A_234, %dma_wait3A_235] : memref<32x1000000xf32, #tpu.memory_space<hbm>> -> memref<32x128xf32, #tpu.memory_space<hbm>>
        %dma_wait3A_237 = tpu.memref_slice %arg23[%rem3A_138] : memref<5x!tpu.dma_semaphore, #tpu.memory_space<semaphore_mem>> -> memref<1x!tpu.dma_semaphore, #tpu.memory_space<semaphore_mem>>
        %dma_wait3A_238 = tpu.memref_squeeze %dma_wait3A_237 : memref<1x!tpu.dma_semaphore, #tpu.memory_space<semaphore_mem>> -> memref<!tpu.dma_semaphore, #tpu.memory_space<semaphore_mem>>
        %dma_wait3A_239 = arith.constant 0 : i32
        %dma_wait3A_240 = arith.constant 0 : i32
        %dma_wait3A_241 = tpu.memref_slice %arg15[%dma_wait3A_229, %dma_wait3A_239, %dma_wait3A_240] : memref<5x32x128xf32, #tpu.memory_space<vmem>> -> memref<1x32x128xf32, #tpu.memory_space<vmem>>
        %dma_wait3A_242 = tpu.memref_squeeze %dma_wait3A_241 : memref<1x32x128xf32, #tpu.memory_space<vmem>> -> memref<32x128xf32, #tpu.memory_space<vmem>>
        %dma_wait3A_243 = arith.constant 0 : i32
        %dma_wait3A_244 = arith.constant 0 : i32
        %dma_wait3A_245 = tpu.memref_slice %arg5[%dma_wait3A_243, %dma_wait3A_244] : memref<32x1000000xf32, #tpu.memory_space<hbm>> -> memref<32x128xf32, #tpu.memory_space<hbm>>
        tpu.wait_dma2 semaphore(%dma_wait3A_238 : memref<!tpu.dma_semaphore, #tpu.memory_space<semaphore_mem>>) src(%dma_wait3A_245 : memref<32x128xf32, #tpu.memory_space<hbm>>) dst(%dma_wait3A_242 : memref<32x128xf32, #tpu.memory_space<vmem>>)
        %gather3A_246 = tpu.vector_load_idx %arg15[%broadcast_in_dim3A, %iota3A, %broadcast_in_dim3A_200] : memref<5x32x128xf32, #tpu.memory_space<vmem>>[vector<16xi32>, vector<16xi32>, vector<16xi32>], vector<16xf32>,
        tpu.vector_store_idx %arg19[%broadcast_in_dim3A_159, %iota3A, %broadcast_in_dim3A_162], %gather3A_246 : memref<2x32x128xf32, #tpu.memory_space<vmem>>[vector<16xi32>, vector<16xi32>, vector<16xi32>], vector<16xf32>,
        %gather3A_247 = tpu.vector_load_idx %arg15[%broadcast_in_dim3A, %add3A_5, %broadcast_in_dim3A_200] : memref<5x32x128xf32, #tpu.memory_space<vmem>>[vector<16xi32>, vector<16xi32>, vector<16xi32>], vector<16xf32>,
        tpu.vector_store_idx %arg19[%broadcast_in_dim3A_159, %add3A_5, %broadcast_in_dim3A_162], %gather3A_247 : memref<2x32x128xf32, #tpu.memory_space<vmem>>[vector<16xi32>, vector<16xi32>, vector<16xi32>], vector<16xf32>,
        %dma_wait3A_248 = arith.constant 0 : i32
        %dma_wait3A_249 = arith.constant 0 : i32
        %dma_wait3A_250 = arith.constant 0 : i32
        %dma_wait3A_251 = tpu.memref_slice %arg16[%dma_wait3A_248, %dma_wait3A_249, %dma_wait3A_250] : memref<5x32x128xf32, #tpu.memory_space<vmem>> -> memref<1x32x128xf32, #tpu.memory_space<vmem>>
        %dma_wait3A_252 = tpu.memref_squeeze %dma_wait3A_251 : memref<1x32x128xf32, #tpu.memory_space<vmem>> -> memref<32x128xf32, #tpu.memory_space<vmem>>
        %dma_wait3A_253 = arith.constant 0 : i32
        %dma_wait3A_254 = arith.constant 0 : i32
        %dma_wait3A_255 = tpu.memref_slice %arg6[%dma_wait3A_253, %dma_wait3A_254] : memref<32x1000000xf32, #tpu.memory_space<hbm>> -> memref<32x128xf32, #tpu.memory_space<hbm>>
        %dma_wait3A_256 = tpu.memref_slice %arg24[%rem3A_138] : memref<5x!tpu.dma_semaphore, #tpu.memory_space<semaphore_mem>> -> memref<1x!tpu.dma_semaphore, #tpu.memory_space<semaphore_mem>>
        %dma_wait3A_257 = tpu.memref_squeeze %dma_wait3A_256 : memref<1x!tpu.dma_semaphore, #tpu.memory_space<semaphore_mem>> -> memref<!tpu.dma_semaphore, #tpu.memory_space<semaphore_mem>>
        %dma_wait3A_258 = arith.constant 0 : i32
        %dma_wait3A_259 = arith.constant 0 : i32
        %dma_wait3A_260 = tpu.memref_slice %arg16[%dma_wait3A_248, %dma_wait3A_258, %dma_wait3A_259] : memref<5x32x128xf32, #tpu.memory_space<vmem>> -> memref<1x32x128xf32, #tpu.memory_space<vmem>>
        %dma_wait3A_261 = tpu.memref_squeeze %dma_wait3A_260 : memref<1x32x128xf32, #tpu.memory_space<vmem>> -> memref<32x128xf32, #tpu.memory_space<vmem>>
        %dma_wait3A_262 = arith.constant 0 : i32
        %dma_wait3A_263 = arith.constant 0 : i32
        %dma_wait3A_264 = tpu.memref_slice %arg6[%dma_wait3A_262, %dma_wait3A_263] : memref<32x1000000xf32, #tpu.memory_space<hbm>> -> memref<32x128xf32, #tpu.memory_space<hbm>>
        tpu.wait_dma2 semaphore(%dma_wait3A_257 : memref<!tpu.dma_semaphore, #tpu.memory_space<semaphore_mem>>) src(%dma_wait3A_264 : memref<32x128xf32, #tpu.memory_space<hbm>>) dst(%dma_wait3A_261 : memref<32x128xf32, #tpu.memory_space<vmem>>)
        %gather3A_265 = tpu.vector_load_idx %arg16[%broadcast_in_dim3A, %iota3A, %broadcast_in_dim3A_179] : memref<5x32x128xf32, #tpu.memory_space<vmem>>[vector<16xi32>, vector<16xi32>, vector<16xi32>], vector<16xf32>,
        tpu.vector_store_idx %arg20[%broadcast_in_dim3A_159, %iota3A, %broadcast_in_dim3A_162], %gather3A_265 : memref<2x32x128xf32, #tpu.memory_space<vmem>>[vector<16xi32>, vector<16xi32>, vector<16xi32>], vector<16xf32>,
        %gather3A_266 = tpu.vector_load_idx %arg16[%broadcast_in_dim3A, %add3A_5, %broadcast_in_dim3A_179] : memref<5x32x128xf32, #tpu.memory_space<vmem>>[vector<16xi32>, vector<16xi32>, vector<16xi32>], vector<16xf32>,
        tpu.vector_store_idx %arg20[%broadcast_in_dim3A_159, %add3A_5, %broadcast_in_dim3A_162], %gather3A_266 : memref<2x32x128xf32, #tpu.memory_space<vmem>>[vector<16xi32>, vector<16xi32>, vector<16xi32>], vector<16xf32>,
        %dma_wait3A_267 = arith.constant 0 : i32
        %dma_wait3A_268 = arith.constant 0 : i32
        %dma_wait3A_269 = arith.constant 0 : i32
        %dma_wait3A_270 = tpu.memref_slice %arg17[%dma_wait3A_267, %dma_wait3A_268, %dma_wait3A_269] : memref<5x32x128xf32, #tpu.memory_space<vmem>> -> memref<1x32x128xf32, #tpu.memory_space<vmem>>
        %dma_wait3A_271 = tpu.memref_squeeze %dma_wait3A_270 : memref<1x32x128xf32, #tpu.memory_space<vmem>> -> memref<32x128xf32, #tpu.memory_space<vmem>>
        %dma_wait3A_272 = arith.constant 0 : i32
        %dma_wait3A_273 = arith.constant 0 : i32
        %dma_wait3A_274 = tpu.memref_slice %arg7[%dma_wait3A_272, %dma_wait3A_273] : memref<32x1000000xf32, #tpu.memory_space<hbm>> -> memref<32x128xf32, #tpu.memory_space<hbm>>
        %dma_wait3A_275 = tpu.memref_slice %arg25[%rem3A_138] : memref<5x!tpu.dma_semaphore, #tpu.memory_space<semaphore_mem>> -> memref<1x!tpu.dma_semaphore, #tpu.memory_space<semaphore_mem>>
        %dma_wait3A_276 = tpu.memref_squeeze %dma_wait3A_275 : memref<1x!tpu.dma_semaphore, #tpu.memory_space<semaphore_mem>> -> memref<!tpu.dma_semaphore, #tpu.memory_space<semaphore_mem>>
        %dma_wait3A_277 = arith.constant 0 : i32
        %dma_wait3A_278 = arith.constant 0 : i32
        %dma_wait3A_279 = tpu.memref_slice %arg17[%dma_wait3A_267, %dma_wait3A_277, %dma_wait3A_278] : memref<5x32x128xf32, #tpu.memory_space<vmem>> -> memref<1x32x128xf32, #tpu.memory_space<vmem>>
        %dma_wait3A_280 = tpu.memref_squeeze %dma_wait3A_279 : memref<1x32x128xf32, #tpu.memory_space<vmem>> -> memref<32x128xf32, #tpu.memory_space<vmem>>
        %dma_wait3A_281 = arith.constant 0 : i32
        %dma_wait3A_282 = arith.constant 0 : i32
        %dma_wait3A_283 = tpu.memref_slice %arg7[%dma_wait3A_281, %dma_wait3A_282] : memref<32x1000000xf32, #tpu.memory_space<hbm>> -> memref<32x128xf32, #tpu.memory_space<hbm>>
        tpu.wait_dma2 semaphore(%dma_wait3A_276 : memref<!tpu.dma_semaphore, #tpu.memory_space<semaphore_mem>>) src(%dma_wait3A_283 : memref<32x128xf32, #tpu.memory_space<hbm>>) dst(%dma_wait3A_280 : memref<32x128xf32, #tpu.memory_space<vmem>>)
        %gather3A_284 = tpu.vector_load_idx %arg17[%broadcast_in_dim3A, %iota3A, %broadcast_in_dim3A_200] : memref<5x32x128xf32, #tpu.memory_space<vmem>>[vector<16xi32>, vector<16xi32>, vector<16xi32>], vector<16xf32>,
        tpu.vector_store_idx %arg21[%broadcast_in_dim3A_159, %iota3A, %broadcast_in_dim3A_162], %gather3A_284 : memref<2x32x128xf32, #tpu.memory_space<vmem>>[vector<16xi32>, vector<16xi32>, vector<16xi32>], vector<16xf32>,
        %gather3A_285 = tpu.vector_load_idx %arg17[%broadcast_in_dim3A, %add3A_5, %broadcast_in_dim3A_200] : memref<5x32x128xf32, #tpu.memory_space<vmem>>[vector<16xi32>, vector<16xi32>, vector<16xi32>], vector<16xf32>,
        tpu.vector_store_idx %arg21[%broadcast_in_dim3A_159, %add3A_5, %broadcast_in_dim3A_162], %gather3A_285 : memref<2x32x128xf32, #tpu.memory_space<vmem>>[vector<16xi32>, vector<16xi32>, vector<16xi32>], vector<16xf32>,
        %rem3A_286 = arith.constant 128 : i32
        %rem3A_287 = arith.remsi %sub3A_133, %rem3A_286 : i32
        %eq3A_288 = arith.constant 127 : i32
        %eq3A_289 = arith.cmpi eq, %rem3A_287, %eq3A_288 : i32
        %convert_element_type3A_290 = arith.extui %eq3A_289 : i1 to i32
        %cond3A_291 = arith.constant 0 : i32
        %cond3A_292 = arith.cmpi ne, %convert_element_type3A_290, %cond3A_291 : i32
        scf.if %cond3A_292 {
          %sub3A_293 = arith.constant 127 : i32
          %sub3A_294 = arith.subi %sub3A_133, %sub3A_293 : i32
          %add3A_295 = arith.addi %mul3A_2, %sub3A_294 : i32
          %multiple_of3A = tpu.assume_multiple %add3A_295, 128 : i32
          %dma_start3A = arith.constant 0 : i32
          %dma_start3A_296 = arith.constant 0 : i32
          %dma_start3A_297 = tpu.memref_slice %arg18[%rem3A_158, %dma_start3A, %dma_start3A_296] : memref<2x32x128xf32, #tpu.memory_space<vmem>> -> memref<1x32x128xf32, #tpu.memory_space<vmem>>
          %dma_start3A_298 = tpu.memref_squeeze %dma_start3A_297 : memref<1x32x128xf32, #tpu.memory_space<vmem>> -> memref<32x128xf32, #tpu.memory_space<vmem>>
          %dma_start3A_299 = arith.constant 0 : i32
          %dma_start3A_300 = tpu.memref_slice %arg8[%dma_start3A_299, %multiple_of3A] : memref<32x16384xf32, #tpu.memory_space<hbm>> -> memref<32x128xf32, #tpu.memory_space<hbm>>
          %dma_start3A_301 = arith.constant 0 : i32
          %dma_start3A_302 = tpu.memref_slice %arg8[%dma_start3A_301, %multiple_of3A] : memref<32x16384xf32, #tpu.memory_space<hbm>> -> memref<32x128xf32, #tpu.memory_space<hbm>>
          %dma_start3A_303 = arith.constant 0 : i32
          %dma_start3A_304 = arith.constant 0 : i32
          %dma_start3A_305 = tpu.memref_slice %arg18[%rem3A_158, %dma_start3A_303, %dma_start3A_304] : memref<2x32x128xf32, #tpu.memory_space<vmem>> -> memref<1x32x128xf32, #tpu.memory_space<vmem>>
          %dma_start3A_306 = tpu.memref_squeeze %dma_start3A_305 : memref<1x32x128xf32, #tpu.memory_space<vmem>> -> memref<32x128xf32, #tpu.memory_space<vmem>>
          tpu.enqueue_dma source(%dma_start3A_306 : memref<32x128xf32, #tpu.memory_space<vmem>>) target(%dma_start3A_302 : memref<32x128xf32, #tpu.memory_space<hbm>>) target_semaphore(%arg26 : memref<!tpu.dma_semaphore, #tpu.memory_space<semaphore_mem>>)
          %dma_start3A_307 = arith.constant 0 : i32
          %dma_start3A_308 = arith.constant 0 : i32
          %dma_start3A_309 = tpu.memref_slice %arg19[%rem3A_158, %dma_start3A_307, %dma_start3A_308] : memref<2x32x128xf32, #tpu.memory_space<vmem>> -> memref<1x32x128xf32, #tpu.memory_space<vmem>>
          %dma_start3A_310 = tpu.memref_squeeze %dma_start3A_309 : memref<1x32x128xf32, #tpu.memory_space<vmem>> -> memref<32x128xf32, #tpu.memory_space<vmem>>
          %dma_start3A_311 = arith.constant 0 : i32
          %dma_start3A_312 = tpu.memref_slice %arg9[%dma_start3A_311, %multiple_of3A] : memref<32x16384xf32, #tpu.memory_space<hbm>> -> memref<32x128xf32, #tpu.memory_space<hbm>>
          %dma_start3A_313 = arith.constant 0 : i32
          %dma_start3A_314 = tpu.memref_slice %arg9[%dma_start3A_313, %multiple_of3A] : memref<32x16384xf32, #tpu.memory_space<hbm>> -> memref<32x128xf32, #tpu.memory_space<hbm>>
          %dma_start3A_315 = arith.constant 0 : i32
          %dma_start3A_316 = arith.constant 0 : i32
          %dma_start3A_317 = tpu.memref_slice %arg19[%rem3A_158, %dma_start3A_315, %dma_start3A_316] : memref<2x32x128xf32, #tpu.memory_space<vmem>> -> memref<1x32x128xf32, #tpu.memory_space<vmem>>
          %dma_start3A_318 = tpu.memref_squeeze %dma_start3A_317 : memref<1x32x128xf32, #tpu.memory_space<vmem>> -> memref<32x128xf32, #tpu.memory_space<vmem>>
          tpu.enqueue_dma source(%dma_start3A_318 : memref<32x128xf32, #tpu.memory_space<vmem>>) target(%dma_start3A_314 : memref<32x128xf32, #tpu.memory_space<hbm>>) target_semaphore(%arg27 : memref<!tpu.dma_semaphore, #tpu.memory_space<semaphore_mem>>)
          %dma_start3A_319 = arith.constant 0 : i32
          %dma_start3A_320 = arith.constant 0 : i32
          %dma_start3A_321 = tpu.memref_slice %arg20[%rem3A_158, %dma_start3A_319, %dma_start3A_320] : memref<2x32x128xf32, #tpu.memory_space<vmem>> -> memref<1x32x128xf32, #tpu.memory_space<vmem>>
          %dma_start3A_322 = tpu.memref_squeeze %dma_start3A_321 : memref<1x32x128xf32, #tpu.memory_space<vmem>> -> memref<32x128xf32, #tpu.memory_space<vmem>>
          %dma_start3A_323 = arith.constant 0 : i32
          %dma_start3A_324 = tpu.memref_slice %arg10[%dma_start3A_323, %multiple_of3A] : memref<32x16384xf32, #tpu.memory_space<hbm>> -> memref<32x128xf32, #tpu.memory_space<hbm>>
          %dma_start3A_325 = arith.constant 0 : i32
          %dma_start3A_326 = tpu.memref_slice %arg10[%dma_start3A_325, %multiple_of3A] : memref<32x16384xf32, #tpu.memory_space<hbm>> -> memref<32x128xf32, #tpu.memory_space<hbm>>
          %dma_start3A_327 = arith.constant 0 : i32
          %dma_start3A_328 = arith.constant 0 : i32
          %dma_start3A_329 = tpu.memref_slice %arg20[%rem3A_158, %dma_start3A_327, %dma_start3A_328] : memref<2x32x128xf32, #tpu.memory_space<vmem>> -> memref<1x32x128xf32, #tpu.memory_space<vmem>>
          %dma_start3A_330 = tpu.memref_squeeze %dma_start3A_329 : memref<1x32x128xf32, #tpu.memory_space<vmem>> -> memref<32x128xf32, #tpu.memory_space<vmem>>
          tpu.enqueue_dma source(%dma_start3A_330 : memref<32x128xf32, #tpu.memory_space<vmem>>) target(%dma_start3A_326 : memref<32x128xf32, #tpu.memory_space<hbm>>) target_semaphore(%arg28 : memref<!tpu.dma_semaphore, #tpu.memory_space<semaphore_mem>>)
          %dma_start3A_331 = arith.constant 0 : i32
          %dma_start3A_332 = arith.constant 0 : i32
          %dma_start3A_333 = tpu.memref_slice %arg21[%rem3A_158, %dma_start3A_331, %dma_start3A_332] : memref<2x32x128xf32, #tpu.memory_space<vmem>> -> memref<1x32x128xf32, #tpu.memory_space<vmem>>
          %dma_start3A_334 = tpu.memref_squeeze %dma_start3A_333 : memref<1x32x128xf32, #tpu.memory_space<vmem>> -> memref<32x128xf32, #tpu.memory_space<vmem>>
          %dma_start3A_335 = arith.constant 0 : i32
          %dma_start3A_336 = tpu.memref_slice %arg11[%dma_start3A_335, %multiple_of3A] : memref<32x16384xf32, #tpu.memory_space<hbm>> -> memref<32x128xf32, #tpu.memory_space<hbm>>
          %dma_start3A_337 = arith.constant 0 : i32
          %dma_start3A_338 = tpu.memref_slice %arg11[%dma_start3A_337, %multiple_of3A] : memref<32x16384xf32, #tpu.memory_space<hbm>> -> memref<32x128xf32, #tpu.memory_space<hbm>>
          %dma_start3A_339 = arith.constant 0 : i32
          %dma_start3A_340 = arith.constant 0 : i32
          %dma_start3A_341 = tpu.memref_slice %arg21[%rem3A_158, %dma_start3A_339, %dma_start3A_340] : memref<2x32x128xf32, #tpu.memory_space<vmem>> -> memref<1x32x128xf32, #tpu.memory_space<vmem>>
          %dma_start3A_342 = tpu.memref_squeeze %dma_start3A_341 : memref<1x32x128xf32, #tpu.memory_space<vmem>> -> memref<32x128xf32, #tpu.memory_space<vmem>>
          tpu.enqueue_dma source(%dma_start3A_342 : memref<32x128xf32, #tpu.memory_space<vmem>>) target(%dma_start3A_338 : memref<32x128xf32, #tpu.memory_space<hbm>>) target_semaphore(%arg29 : memref<!tpu.dma_semaphore, #tpu.memory_space<semaphore_mem>>)
        } else {
        }
      } else {
      }
    }
    %scan3A_10 = arith.constant 516 : i32
    %dma_wait3A = arith.constant 0 : i32
    %dma_wait3A_11 = arith.constant 0 : i32
    %dma_wait3A_12 = arith.constant 0 : i32
    %dma_wait3A_13 = tpu.memref_slice %arg18[%dma_wait3A, %dma_wait3A_11, %dma_wait3A_12] : memref<2x32x128xf32, #tpu.memory_space<vmem>> -> memref<1x32x128xf32, #tpu.memory_space<vmem>>
    %dma_wait3A_14 = tpu.memref_squeeze %dma_wait3A_13 : memref<1x32x128xf32, #tpu.memory_space<vmem>> -> memref<32x128xf32, #tpu.memory_space<vmem>>
    %dma_wait3A_15 = arith.constant 0 : i32
    %dma_wait3A_16 = arith.constant 0 : i32
    %dma_wait3A_17 = tpu.memref_slice %arg4[%dma_wait3A_15, %dma_wait3A_16] : memref<32x1000000xf32, #tpu.memory_space<hbm>> -> memref<32x128xf32, #tpu.memory_space<hbm>>
    %dma_wait3A_18 = arith.constant 0 : i32
    %dma_wait3A_19 = arith.constant 0 : i32
    %dma_wait3A_20 = tpu.memref_slice %arg18[%dma_wait3A, %dma_wait3A_18, %dma_wait3A_19] : memref<2x32x128xf32, #tpu.memory_space<vmem>> -> memref<1x32x128xf32, #tpu.memory_space<vmem>>
    %dma_wait3A_21 = tpu.memref_squeeze %dma_wait3A_20 : memref<1x32x128xf32, #tpu.memory_space<vmem>> -> memref<32x128xf32, #tpu.memory_space<vmem>>
    %dma_wait3A_22 = arith.constant 0 : i32
    %dma_wait3A_23 = arith.constant 0 : i32
    %dma_wait3A_24 = tpu.memref_slice %arg4[%dma_wait3A_22, %dma_wait3A_23] : memref<32x1000000xf32, #tpu.memory_space<hbm>> -> memref<32x128xf32, #tpu.memory_space<hbm>>
    tpu.wait_dma2 semaphore(%arg26 : memref<!tpu.dma_semaphore, #tpu.memory_space<semaphore_mem>>) src(%dma_wait3A_24 : memref<32x128xf32, #tpu.memory_space<hbm>>) dst(%dma_wait3A_21 : memref<32x128xf32, #tpu.memory_space<vmem>>)
    %dma_wait3A_25 = arith.constant 0 : i32
    %dma_wait3A_26 = arith.constant 0 : i32
    %dma_wait3A_27 = arith.constant 0 : i32
    %dma_wait3A_28 = tpu.memref_slice %arg18[%dma_wait3A_25, %dma_wait3A_26, %dma_wait3A_27] : memref<2x32x128xf32, #tpu.memory_space<vmem>> -> memref<1x32x128xf32, #tpu.memory_space<vmem>>
    %dma_wait3A_29 = tpu.memref_squeeze %dma_wait3A_28 : memref<1x32x128xf32, #tpu.memory_space<vmem>> -> memref<32x128xf32, #tpu.memory_space<vmem>>
    %dma_wait3A_30 = arith.constant 0 : i32
    %dma_wait3A_31 = arith.constant 0 : i32
    %dma_wait3A_32 = tpu.memref_slice %arg4[%dma_wait3A_30, %dma_wait3A_31] : memref<32x1000000xf32, #tpu.memory_space<hbm>> -> memref<32x128xf32, #tpu.memory_space<hbm>>
    %dma_wait3A_33 = arith.constant 0 : i32
    %dma_wait3A_34 = arith.constant 0 : i32
    %dma_wait3A_35 = tpu.memref_slice %arg18[%dma_wait3A_25, %dma_wait3A_33, %dma_wait3A_34] : memref<2x32x128xf32, #tpu.memory_space<vmem>> -> memref<1x32x128xf32, #tpu.memory_space<vmem>>
    %dma_wait3A_36 = tpu.memref_squeeze %dma_wait3A_35 : memref<1x32x128xf32, #tpu.memory_space<vmem>> -> memref<32x128xf32, #tpu.memory_space<vmem>>
    %dma_wait3A_37 = arith.constant 0 : i32
    %dma_wait3A_38 = arith.constant 0 : i32
    %dma_wait3A_39 = tpu.memref_slice %arg4[%dma_wait3A_37, %dma_wait3A_38] : memref<32x1000000xf32, #tpu.memory_space<hbm>> -> memref<32x128xf32, #tpu.memory_space<hbm>>
    tpu.wait_dma2 semaphore(%arg26 : memref<!tpu.dma_semaphore, #tpu.memory_space<semaphore_mem>>) src(%dma_wait3A_39 : memref<32x128xf32, #tpu.memory_space<hbm>>) dst(%dma_wait3A_36 : memref<32x128xf32, #tpu.memory_space<vmem>>)
    %dma_wait3A_40 = arith.constant 0 : i32
    %dma_wait3A_41 = arith.constant 0 : i32
    %dma_wait3A_42 = arith.constant 0 : i32
    %dma_wait3A_43 = tpu.memref_slice %arg19[%dma_wait3A_40, %dma_wait3A_41, %dma_wait3A_42] : memref<2x32x128xf32, #tpu.memory_space<vmem>> -> memref<1x32x128xf32, #tpu.memory_space<vmem>>
    %dma_wait3A_44 = tpu.memref_squeeze %dma_wait3A_43 : memref<1x32x128xf32, #tpu.memory_space<vmem>> -> memref<32x128xf32, #tpu.memory_space<vmem>>
    %dma_wait3A_45 = arith.constant 0 : i32
    %dma_wait3A_46 = arith.constant 0 : i32
    %dma_wait3A_47 = tpu.memref_slice %arg5[%dma_wait3A_45, %dma_wait3A_46] : memref<32x1000000xf32, #tpu.memory_space<hbm>> -> memref<32x128xf32, #tpu.memory_space<hbm>>
    %dma_wait3A_48 = arith.constant 0 : i32
    %dma_wait3A_49 = arith.constant 0 : i32
    %dma_wait3A_50 = tpu.memref_slice %arg19[%dma_wait3A_40, %dma_wait3A_48, %dma_wait3A_49] : memref<2x32x128xf32, #tpu.memory_space<vmem>> -> memref<1x32x128xf32, #tpu.memory_space<vmem>>
    %dma_wait3A_51 = tpu.memref_squeeze %dma_wait3A_50 : memref<1x32x128xf32, #tpu.memory_space<vmem>> -> memref<32x128xf32, #tpu.memory_space<vmem>>
    %dma_wait3A_52 = arith.constant 0 : i32
    %dma_wait3A_53 = arith.constant 0 : i32
    %dma_wait3A_54 = tpu.memref_slice %arg5[%dma_wait3A_52, %dma_wait3A_53] : memref<32x1000000xf32, #tpu.memory_space<hbm>> -> memref<32x128xf32, #tpu.memory_space<hbm>>
    tpu.wait_dma2 semaphore(%arg27 : memref<!tpu.dma_semaphore, #tpu.memory_space<semaphore_mem>>) src(%dma_wait3A_54 : memref<32x128xf32, #tpu.memory_space<hbm>>) dst(%dma_wait3A_51 : memref<32x128xf32, #tpu.memory_space<vmem>>)
    %dma_wait3A_55 = arith.constant 0 : i32
    %dma_wait3A_56 = arith.constant 0 : i32
    %dma_wait3A_57 = arith.constant 0 : i32
    %dma_wait3A_58 = tpu.memref_slice %arg19[%dma_wait3A_55, %dma_wait3A_56, %dma_wait3A_57] : memref<2x32x128xf32, #tpu.memory_space<vmem>> -> memref<1x32x128xf32, #tpu.memory_space<vmem>>
    %dma_wait3A_59 = tpu.memref_squeeze %dma_wait3A_58 : memref<1x32x128xf32, #tpu.memory_space<vmem>> -> memref<32x128xf32, #tpu.memory_space<vmem>>
    %dma_wait3A_60 = arith.constant 0 : i32
    %dma_wait3A_61 = arith.constant 0 : i32
    %dma_wait3A_62 = tpu.memref_slice %arg5[%dma_wait3A_60, %dma_wait3A_61] : memref<32x1000000xf32, #tpu.memory_space<hbm>> -> memref<32x128xf32, #tpu.memory_space<hbm>>
    %dma_wait3A_63 = arith.constant 0 : i32
    %dma_wait3A_64 = arith.constant 0 : i32
    %dma_wait3A_65 = tpu.memref_slice %arg19[%dma_wait3A_55, %dma_wait3A_63, %dma_wait3A_64] : memref<2x32x128xf32, #tpu.memory_space<vmem>> -> memref<1x32x128xf32, #tpu.memory_space<vmem>>
    %dma_wait3A_66 = tpu.memref_squeeze %dma_wait3A_65 : memref<1x32x128xf32, #tpu.memory_space<vmem>> -> memref<32x128xf32, #tpu.memory_space<vmem>>
    %dma_wait3A_67 = arith.constant 0 : i32
    %dma_wait3A_68 = arith.constant 0 : i32
    %dma_wait3A_69 = tpu.memref_slice %arg5[%dma_wait3A_67, %dma_wait3A_68] : memref<32x1000000xf32, #tpu.memory_space<hbm>> -> memref<32x128xf32, #tpu.memory_space<hbm>>
    tpu.wait_dma2 semaphore(%arg27 : memref<!tpu.dma_semaphore, #tpu.memory_space<semaphore_mem>>) src(%dma_wait3A_69 : memref<32x128xf32, #tpu.memory_space<hbm>>) dst(%dma_wait3A_66 : memref<32x128xf32, #tpu.memory_space<vmem>>)
    %dma_wait3A_70 = arith.constant 0 : i32
    %dma_wait3A_71 = arith.constant 0 : i32
    %dma_wait3A_72 = arith.constant 0 : i32
    %dma_wait3A_73 = tpu.memref_slice %arg20[%dma_wait3A_70, %dma_wait3A_71, %dma_wait3A_72] : memref<2x32x128xf32, #tpu.memory_space<vmem>> -> memref<1x32x128xf32, #tpu.memory_space<vmem>>
    %dma_wait3A_74 = tpu.memref_squeeze %dma_wait3A_73 : memref<1x32x128xf32, #tpu.memory_space<vmem>> -> memref<32x128xf32, #tpu.memory_space<vmem>>
    %dma_wait3A_75 = arith.constant 0 : i32
    %dma_wait3A_76 = arith.constant 0 : i32
    %dma_wait3A_77 = tpu.memref_slice %arg6[%dma_wait3A_75, %dma_wait3A_76] : memref<32x1000000xf32, #tpu.memory_space<hbm>> -> memref<32x128xf32, #tpu.memory_space<hbm>>
    %dma_wait3A_78 = arith.constant 0 : i32
    %dma_wait3A_79 = arith.constant 0 : i32
    %dma_wait3A_80 = tpu.memref_slice %arg20[%dma_wait3A_70, %dma_wait3A_78, %dma_wait3A_79] : memref<2x32x128xf32, #tpu.memory_space<vmem>> -> memref<1x32x128xf32, #tpu.memory_space<vmem>>
    %dma_wait3A_81 = tpu.memref_squeeze %dma_wait3A_80 : memref<1x32x128xf32, #tpu.memory_space<vmem>> -> memref<32x128xf32, #tpu.memory_space<vmem>>
    %dma_wait3A_82 = arith.constant 0 : i32
    %dma_wait3A_83 = arith.constant 0 : i32
    %dma_wait3A_84 = tpu.memref_slice %arg6[%dma_wait3A_82, %dma_wait3A_83] : memref<32x1000000xf32, #tpu.memory_space<hbm>> -> memref<32x128xf32, #tpu.memory_space<hbm>>
    tpu.wait_dma2 semaphore(%arg28 : memref<!tpu.dma_semaphore, #tpu.memory_space<semaphore_mem>>) src(%dma_wait3A_84 : memref<32x128xf32, #tpu.memory_space<hbm>>) dst(%dma_wait3A_81 : memref<32x128xf32, #tpu.memory_space<vmem>>)
    %dma_wait3A_85 = arith.constant 0 : i32
    %dma_wait3A_86 = arith.constant 0 : i32
    %dma_wait3A_87 = arith.constant 0 : i32
    %dma_wait3A_88 = tpu.memref_slice %arg20[%dma_wait3A_85, %dma_wait3A_86, %dma_wait3A_87] : memref<2x32x128xf32, #tpu.memory_space<vmem>> -> memref<1x32x128xf32, #tpu.memory_space<vmem>>
    %dma_wait3A_89 = tpu.memref_squeeze %dma_wait3A_88 : memref<1x32x128xf32, #tpu.memory_space<vmem>> -> memref<32x128xf32, #tpu.memory_space<vmem>>
    %dma_wait3A_90 = arith.constant 0 : i32
    %dma_wait3A_91 = arith.constant 0 : i32
    %dma_wait3A_92 = tpu.memref_slice %arg6[%dma_wait3A_90, %dma_wait3A_91] : memref<32x1000000xf32, #tpu.memory_space<hbm>> -> memref<32x128xf32, #tpu.memory_space<hbm>>
    %dma_wait3A_93 = arith.constant 0 : i32
    %dma_wait3A_94 = arith.constant 0 : i32
    %dma_wait3A_95 = tpu.memref_slice %arg20[%dma_wait3A_85, %dma_wait3A_93, %dma_wait3A_94] : memref<2x32x128xf32, #tpu.memory_space<vmem>> -> memref<1x32x128xf32, #tpu.memory_space<vmem>>
    %dma_wait3A_96 = tpu.memref_squeeze %dma_wait3A_95 : memref<1x32x128xf32, #tpu.memory_space<vmem>> -> memref<32x128xf32, #tpu.memory_space<vmem>>
    %dma_wait3A_97 = arith.constant 0 : i32
    %dma_wait3A_98 = arith.constant 0 : i32
    %dma_wait3A_99 = tpu.memref_slice %arg6[%dma_wait3A_97, %dma_wait3A_98] : memref<32x1000000xf32, #tpu.memory_space<hbm>> -> memref<32x128xf32, #tpu.memory_space<hbm>>
    tpu.wait_dma2 semaphore(%arg28 : memref<!tpu.dma_semaphore, #tpu.memory_space<semaphore_mem>>) src(%dma_wait3A_99 : memref<32x128xf32, #tpu.memory_space<hbm>>) dst(%dma_wait3A_96 : memref<32x128xf32, #tpu.memory_space<vmem>>)
    %dma_wait3A_100 = arith.constant 0 : i32
    %dma_wait3A_101 = arith.constant 0 : i32
    %dma_wait3A_102 = arith.constant 0 : i32
    %dma_wait3A_103 = tpu.memref_slice %arg21[%dma_wait3A_100, %dma_wait3A_101, %dma_wait3A_102] : memref<2x32x128xf32, #tpu.memory_space<vmem>> -> memref<1x32x128xf32, #tpu.memory_space<vmem>>
    %dma_wait3A_104 = tpu.memref_squeeze %dma_wait3A_103 : memref<1x32x128xf32, #tpu.memory_space<vmem>> -> memref<32x128xf32, #tpu.memory_space<vmem>>
    %dma_wait3A_105 = arith.constant 0 : i32
    %dma_wait3A_106 = arith.constant 0 : i32
    %dma_wait3A_107 = tpu.memref_slice %arg7[%dma_wait3A_105, %dma_wait3A_106] : memref<32x1000000xf32, #tpu.memory_space<hbm>> -> memref<32x128xf32, #tpu.memory_space<hbm>>
    %dma_wait3A_108 = arith.constant 0 : i32
    %dma_wait3A_109 = arith.constant 0 : i32
    %dma_wait3A_110 = tpu.memref_slice %arg21[%dma_wait3A_100, %dma_wait3A_108, %dma_wait3A_109] : memref<2x32x128xf32, #tpu.memory_space<vmem>> -> memref<1x32x128xf32, #tpu.memory_space<vmem>>
    %dma_wait3A_111 = tpu.memref_squeeze %dma_wait3A_110 : memref<1x32x128xf32, #tpu.memory_space<vmem>> -> memref<32x128xf32, #tpu.memory_space<vmem>>
    %dma_wait3A_112 = arith.constant 0 : i32
    %dma_wait3A_113 = arith.constant 0 : i32
    %dma_wait3A_114 = tpu.memref_slice %arg7[%dma_wait3A_112, %dma_wait3A_113] : memref<32x1000000xf32, #tpu.memory_space<hbm>> -> memref<32x128xf32, #tpu.memory_space<hbm>>
    tpu.wait_dma2 semaphore(%arg29 : memref<!tpu.dma_semaphore, #tpu.memory_space<semaphore_mem>>) src(%dma_wait3A_114 : memref<32x128xf32, #tpu.memory_space<hbm>>) dst(%dma_wait3A_111 : memref<32x128xf32, #tpu.memory_space<vmem>>)
    %dma_wait3A_115 = arith.constant 0 : i32
    %dma_wait3A_116 = arith.constant 0 : i32
    %dma_wait3A_117 = arith.constant 0 : i32
    %dma_wait3A_118 = tpu.memref_slice %arg21[%dma_wait3A_115, %dma_wait3A_116, %dma_wait3A_117] : memref<2x32x128xf32, #tpu.memory_space<vmem>> -> memref<1x32x128xf32, #tpu.memory_space<vmem>>
    %dma_wait3A_119 = tpu.memref_squeeze %dma_wait3A_118 : memref<1x32x128xf32, #tpu.memory_space<vmem>> -> memref<32x128xf32, #tpu.memory_space<vmem>>
    %dma_wait3A_120 = arith.constant 0 : i32
    %dma_wait3A_121 = arith.constant 0 : i32
    %dma_wait3A_122 = tpu.memref_slice %arg7[%dma_wait3A_120, %dma_wait3A_121] : memref<32x1000000xf32, #tpu.memory_space<hbm>> -> memref<32x128xf32, #tpu.memory_space<hbm>>
    %dma_wait3A_123 = arith.constant 0 : i32
    %dma_wait3A_124 = arith.constant 0 : i32
    %dma_wait3A_125 = tpu.memref_slice %arg21[%dma_wait3A_115, %dma_wait3A_123, %dma_wait3A_124] : memref<2x32x128xf32, #tpu.memory_space<vmem>> -> memref<1x32x128xf32, #tpu.memory_space<vmem>>
    %dma_wait3A_126 = tpu.memref_squeeze %dma_wait3A_125 : memref<1x32x128xf32, #tpu.memory_space<vmem>> -> memref<32x128xf32, #tpu.memory_space<vmem>>
    %dma_wait3A_127 = arith.constant 0 : i32
    %dma_wait3A_128 = arith.constant 0 : i32
    %dma_wait3A_129 = tpu.memref_slice %arg7[%dma_wait3A_127, %dma_wait3A_128] : memref<32x1000000xf32, #tpu.memory_space<hbm>> -> memref<32x128xf32, #tpu.memory_space<hbm>>
    tpu.wait_dma2 semaphore(%arg29 : memref<!tpu.dma_semaphore, #tpu.memory_space<semaphore_mem>>) src(%dma_wait3A_129 : memref<32x128xf32, #tpu.memory_space<hbm>>) dst(%dma_wait3A_126 : memref<32x128xf32, #tpu.memory_space<vmem>>)
    return
  }
}

module attributes {stable_mosaic.version = 14 : i64} {
  func.func @_tc_body(%arg0: i32, %arg1: memref<32x2048xf32, #tpu.memory_space<vmem>>, %arg2: memref<32x2048xf32, #tpu.memory_space<vmem>>, %arg3: memref<32x2048xf32, #tpu.memory_space<vmem>>, %arg4: memref<32x2048xf32, #tpu.memory_space<vmem>>, %arg5: memref<64x64xf32, #tpu.memory_space<vmem>>, %arg6: memref<64x1xf32, #tpu.memory_space<vmem>>, %arg7: memref<32x64xf32, #tpu.memory_space<vmem>>, %arg8: memref<32x1xf32, #tpu.memory_space<vmem>>, %arg9: memref<16x32xf32, #tpu.memory_space<vmem>>, %arg10: memref<16x1xf32, #tpu.memory_space<vmem>>, %arg11: memref<8x16xf32, #tpu.memory_space<vmem>>, %arg12: memref<8x1xf32, #tpu.memory_space<vmem>>, %arg13: memref<1x32xf32, #tpu.memory_space<vmem>>, %arg14: memref<1x8xf32, #tpu.memory_space<vmem>>, %arg15: memref<1x1xf32, #tpu.memory_space<vmem>>, %arg16: memref<1x2048xf32, #tpu.memory_space<vmem>>) attributes {dimension_semantics = [#tpu.dimension_semantics<arbitrary>], iteration_bounds = array<i64: 8>, scalar_prefetch = 0 : i64, scratch_operands = 0 : i64, tpu.core_type = #tpu.core_type<tc>, window_params = [{transform_indices = @transform_0, window_bounds = array<i64: 32, 2048>}, {transform_indices = @transform_1, window_bounds = array<i64: 32, 2048>}, {transform_indices = @transform_2, window_bounds = array<i64: 32, 2048>}, {transform_indices = @transform_3, window_bounds = array<i64: 32, 2048>}, {pipeline_mode = #tpu.pipeline_mode<synchronous>, transform_indices = @transform_4, window_bounds = array<i64: 64, 64>}, {pipeline_mode = #tpu.pipeline_mode<synchronous>, transform_indices = @transform_5, window_bounds = array<i64: 64, 1>}, {pipeline_mode = #tpu.pipeline_mode<synchronous>, transform_indices = @transform_6, window_bounds = array<i64: 32, 64>}, {pipeline_mode = #tpu.pipeline_mode<synchronous>, transform_indices = @transform_7, window_bounds = array<i64: 32, 1>}, {pipeline_mode = #tpu.pipeline_mode<synchronous>, transform_indices = @transform_8, window_bounds = array<i64: 16, 32>}, {pipeline_mode = #tpu.pipeline_mode<synchronous>, transform_indices = @transform_9, window_bounds = array<i64: 16, 1>}, {pipeline_mode = #tpu.pipeline_mode<synchronous>, transform_indices = @transform_10, window_bounds = array<i64: 8, 16>}, {pipeline_mode = #tpu.pipeline_mode<synchronous>, transform_indices = @transform_11, window_bounds = array<i64: 8, 1>}, {pipeline_mode = #tpu.pipeline_mode<synchronous>, transform_indices = @transform_12, window_bounds = array<i64: 1, 32>}, {pipeline_mode = #tpu.pipeline_mode<synchronous>, transform_indices = @transform_13, window_bounds = array<i64: 1, 8>}, {pipeline_mode = #tpu.pipeline_mode<synchronous>, transform_indices = @transform_14, window_bounds = array<i64: 1, 1>}, {transform_indices = @transform_15, window_bounds = array<i64: 1, 2048>}]} {
    %get3A = arith.constant 0 : index
    %get3A_0 = arith.constant 0 : index
    %get3A_1 = vector.load %arg1[%get3A, %get3A_0] : memref<32x2048xf32, #tpu.memory_space<vmem>>, vector<32x2048xf32>
    %get3A_2 = arith.constant 0 : index
    %get3A_3 = arith.constant 0 : index
    %get3A_4 = vector.load %arg2[%get3A_2, %get3A_3] : memref<32x2048xf32, #tpu.memory_space<vmem>>, vector<32x2048xf32>
    %mul3A = arith.mulf %get3A_1, %get3A_1 : vector<32x2048xf32>
    %reduce_sum3A = arith.constant dense<0.000000e+00> : vector<2048xf32>
    %reduce_sum3A_5 = vector.multi_reduction <add>, %mul3A, %reduce_sum3A [0] : vector<32x2048xf32> to vector<2048xf32>
    %broadcast_in_dim3A = vector.shape_cast %reduce_sum3A_5 : vector<2048xf32> to vector<1x2048xf32>
    %sqrt3A = math.sqrt %broadcast_in_dim3A : vector<1x2048xf32>
    %mul3A_6 = arith.mulf %get3A_4, %get3A_4 : vector<32x2048xf32>
    %reduce_sum3A_7 = arith.constant dense<0.000000e+00> : vector<2048xf32>
    %reduce_sum3A_8 = vector.multi_reduction <add>, %mul3A_6, %reduce_sum3A_7 [0] : vector<32x2048xf32> to vector<2048xf32>
    %broadcast_in_dim3A_9 = vector.shape_cast %reduce_sum3A_8 : vector<2048xf32> to vector<1x2048xf32>
    %sqrt3A_10 = math.sqrt %broadcast_in_dim3A_9 : vector<1x2048xf32>
    %max3A = arith.constant 9.99999996E-13 : f32
    %max3A_11 = vector.broadcast %max3A : f32 to vector<1x2048xf32>
    %max3A_12 = arith.maximumf %sqrt3A, %max3A_11 : vector<1x2048xf32>
    %div3A = vector.broadcast %max3A_12 : vector<1x2048xf32> to vector<32x2048xf32>
    %div3A_13 = arith.divf %get3A_1, %div3A : vector<32x2048xf32>
    %max3A_14 = arith.constant 9.99999996E-13 : f32
    %max3A_15 = vector.broadcast %max3A_14 : f32 to vector<1x2048xf32>
    %max3A_16 = arith.maximumf %sqrt3A_10, %max3A_15 : vector<1x2048xf32>
    %div3A_17 = vector.broadcast %max3A_16 : vector<1x2048xf32> to vector<32x2048xf32>
    %div3A_18 = arith.divf %get3A_4, %div3A_17 : vector<32x2048xf32>
    %mul3A_19 = arith.mulf %div3A_13, %div3A_18 : vector<32x2048xf32>
    %get3A_20 = arith.constant 0 : index
    %get3A_21 = arith.constant 0 : index
    %get3A_22 = vector.load %arg3[%get3A_20, %get3A_21] : memref<32x2048xf32, #tpu.memory_space<vmem>>, vector<32x2048xf32>
    %get3A_23 = arith.constant 0 : index
    %get3A_24 = arith.constant 0 : index
    %get3A_25 = vector.load %arg4[%get3A_23, %get3A_24] : memref<32x2048xf32, #tpu.memory_space<vmem>>, vector<32x2048xf32>
    %concatenate3A = tpu.concatenate %get3A_22, %get3A_25 in 0 : vector<32x2048xf32>, vector<32x2048xf32> -> vector<64x2048xf32>
    %get3A_26 = arith.constant 0 : index
    %get3A_27 = arith.constant 0 : index
    %get3A_28 = vector.load %arg5[%get3A_26, %get3A_27] : memref<64x64xf32, #tpu.memory_space<vmem>>, vector<64x64xf32>
    %dot_general3A = arith.constant dense<0.000000e+00> : vector<64x2048xf32>
    %dot_general3A_29 = tpu.matmul %get3A_28, %concatenate3A, %dot_general3A {dimension_numbers = #tpu.dot_dimension_numbers<[1], [0], [0], [1], [0, 0, 1, 1], [], []>, transpose_lhs_hint = false} : vector<64x64xf32>, vector<64x2048xf32>, vector<64x2048xf32> -> vector<64x2048xf32>
    %get3A_30 = arith.constant 0 : index
    %get3A_31 = arith.constant 0 : index
    %get3A_32 = vector.load %arg6[%get3A_30, %get3A_31] : memref<64x1xf32, #tpu.memory_space<vmem>>, vector<64x1xf32>
    %add3A = vector.broadcast %get3A_32 : vector<64x1xf32> to vector<64x2048xf32>
    %add3A_33 = arith.addf %dot_general3A_29, %add3A : vector<64x2048xf32>
    %max3A_34 = arith.constant 0.000000e+00 : f32
    %max3A_35 = vector.broadcast %max3A_34 : f32 to vector<64x2048xf32>
    %max3A_36 = arith.maximumf %add3A_33, %max3A_35 : vector<64x2048xf32>
    %get3A_37 = arith.constant 0 : index
    %get3A_38 = arith.constant 0 : index
    %get3A_39 = vector.load %arg7[%get3A_37, %get3A_38] : memref<32x64xf32, #tpu.memory_space<vmem>>, vector<32x64xf32>
    %dot_general3A_40 = arith.constant dense<0.000000e+00> : vector<32x2048xf32>
    %dot_general3A_41 = tpu.matmul %get3A_39, %max3A_36, %dot_general3A_40 {dimension_numbers = #tpu.dot_dimension_numbers<[1], [0], [0], [1], [0, 0, 1, 1], [], []>, transpose_lhs_hint = false} : vector<32x64xf32>, vector<64x2048xf32>, vector<32x2048xf32> -> vector<32x2048xf32>
    %get3A_42 = arith.constant 0 : index
    %get3A_43 = arith.constant 0 : index
    %get3A_44 = vector.load %arg8[%get3A_42, %get3A_43] : memref<32x1xf32, #tpu.memory_space<vmem>>, vector<32x1xf32>
    %add3A_45 = vector.broadcast %get3A_44 : vector<32x1xf32> to vector<32x2048xf32>
    %add3A_46 = arith.addf %dot_general3A_41, %add3A_45 : vector<32x2048xf32>
    %max3A_47 = arith.constant 0.000000e+00 : f32
    %max3A_48 = vector.broadcast %max3A_47 : f32 to vector<32x2048xf32>
    %max3A_49 = arith.maximumf %add3A_46, %max3A_48 : vector<32x2048xf32>
    %get3A_50 = arith.constant 0 : index
    %get3A_51 = arith.constant 0 : index
    %get3A_52 = vector.load %arg9[%get3A_50, %get3A_51] : memref<16x32xf32, #tpu.memory_space<vmem>>, vector<16x32xf32>
    %dot_general3A_53 = arith.constant dense<0.000000e+00> : vector<16x2048xf32>
    %dot_general3A_54 = tpu.matmul %get3A_52, %max3A_49, %dot_general3A_53 {dimension_numbers = #tpu.dot_dimension_numbers<[1], [0], [0], [1], [0, 0, 1, 1], [], []>, transpose_lhs_hint = false} : vector<16x32xf32>, vector<32x2048xf32>, vector<16x2048xf32> -> vector<16x2048xf32>
    %get3A_55 = arith.constant 0 : index
    %get3A_56 = arith.constant 0 : index
    %get3A_57 = vector.load %arg10[%get3A_55, %get3A_56] : memref<16x1xf32, #tpu.memory_space<vmem>>, vector<16x1xf32>
    %add3A_58 = vector.broadcast %get3A_57 : vector<16x1xf32> to vector<16x2048xf32>
    %add3A_59 = arith.addf %dot_general3A_54, %add3A_58 : vector<16x2048xf32>
    %max3A_60 = arith.constant 0.000000e+00 : f32
    %max3A_61 = vector.broadcast %max3A_60 : f32 to vector<16x2048xf32>
    %max3A_62 = arith.maximumf %add3A_59, %max3A_61 : vector<16x2048xf32>
    %get3A_63 = arith.constant 0 : index
    %get3A_64 = arith.constant 0 : index
    %get3A_65 = vector.load %arg11[%get3A_63, %get3A_64] : memref<8x16xf32, #tpu.memory_space<vmem>>, vector<8x16xf32>
    %dot_general3A_66 = arith.constant dense<0.000000e+00> : vector<8x2048xf32>
    %dot_general3A_67 = tpu.matmul %get3A_65, %max3A_62, %dot_general3A_66 {dimension_numbers = #tpu.dot_dimension_numbers<[1], [0], [0], [1], [0, 0, 1, 1], [], []>, transpose_lhs_hint = false} : vector<8x16xf32>, vector<16x2048xf32>, vector<8x2048xf32> -> vector<8x2048xf32>
    %get3A_68 = arith.constant 0 : index
    %get3A_69 = arith.constant 0 : index
    %get3A_70 = vector.load %arg12[%get3A_68, %get3A_69] : memref<8x1xf32, #tpu.memory_space<vmem>>, vector<8x1xf32>
    %add3A_71 = vector.broadcast %get3A_70 : vector<8x1xf32> to vector<8x2048xf32>
    %add3A_72 = arith.addf %dot_general3A_67, %add3A_71 : vector<8x2048xf32>
    %max3A_73 = arith.constant 0.000000e+00 : f32
    %max3A_74 = vector.broadcast %max3A_73 : f32 to vector<8x2048xf32>
    %max3A_75 = arith.maximumf %add3A_72, %max3A_74 : vector<8x2048xf32>
    %get3A_76 = arith.constant 0 : index
    %get3A_77 = arith.constant 0 : index
    %get3A_78 = vector.load %arg13[%get3A_76, %get3A_77] : memref<1x32xf32, #tpu.memory_space<vmem>>, vector<1x32xf32>
    %dot_general3A_79 = arith.constant dense<0.000000e+00> : vector<1x2048xf32>
    %dot_general3A_80 = tpu.matmul %get3A_78, %mul3A_19, %dot_general3A_79 {dimension_numbers = #tpu.dot_dimension_numbers<[1], [0], [0], [1], [0, 0, 1, 1], [], []>, transpose_lhs_hint = false} : vector<1x32xf32>, vector<32x2048xf32>, vector<1x2048xf32> -> vector<1x2048xf32>
    %get3A_81 = arith.constant 0 : index
    %get3A_82 = arith.constant 0 : index
    %get3A_83 = vector.load %arg14[%get3A_81, %get3A_82] : memref<1x8xf32, #tpu.memory_space<vmem>>, vector<1x8xf32>
    %dot_general3A_84 = arith.constant dense<0.000000e+00> : vector<1x2048xf32>
    %dot_general3A_85 = tpu.matmul %get3A_83, %max3A_75, %dot_general3A_84 {dimension_numbers = #tpu.dot_dimension_numbers<[1], [0], [0], [1], [0, 0, 1, 1], [], []>, transpose_lhs_hint = false} : vector<1x8xf32>, vector<8x2048xf32>, vector<1x2048xf32> -> vector<1x2048xf32>
    %add3A_86 = arith.addf %dot_general3A_80, %dot_general3A_85 : vector<1x2048xf32>
    %get3A_87 = arith.constant 0 : index
    %get3A_88 = arith.constant 0 : index
    %get3A_89 = vector.load %arg15[%get3A_87, %get3A_88] : memref<1x1xf32, #tpu.memory_space<vmem>>, vector<1x1xf32>
    %add3A_90 = vector.broadcast %get3A_89 : vector<1x1xf32> to vector<1x2048xf32>
    %add3A_91 = arith.addf %add3A_86, %add3A_90 : vector<1x2048xf32>
    %neg3A = arith.constant 0.000000e+00 : f32
    %neg3A_92 = vector.broadcast %neg3A : f32 to vector<1x2048xf32>
    %neg3A_93 = arith.subf %neg3A_92, %add3A_91 : vector<1x2048xf32>
    %exp3A = math.exp %neg3A_93 : vector<1x2048xf32>
    %add3A_94 = arith.constant 1.000000e+00 : f32
    %add3A_95 = vector.broadcast %add3A_94 : f32 to vector<1x2048xf32>
    %add3A_96 = arith.addf %add3A_95, %exp3A : vector<1x2048xf32>
    %div3A_97 = arith.constant 1.000000e+00 : f32
    %div3A_98 = vector.broadcast %div3A_97 : f32 to vector<1x2048xf32>
    %div3A_99 = arith.divf %div3A_98, %add3A_96 : vector<1x2048xf32>
    %swap3A = arith.constant 0 : index
    %swap3A_100 = arith.constant 0 : index
    %swap3A_101 = vector.load %arg16[%swap3A, %swap3A_100] : memref<1x2048xf32, #tpu.memory_space<vmem>>, vector<1x2048xf32>
    tpu.vector_store %arg16[%swap3A, %swap3A_100], %div3A_99 {strides = array<i32>} : memref<1x2048xf32, #tpu.memory_space<vmem>>, vector<1x2048xf32>,
    return
  }
  func.func @transform_0(%arg0: i32) -> (i32, i32) {
    %c0_i32 = arith.constant 0 : i32
    %c0_i32_0 = arith.constant 0 : i32
    return %c0_i32, %arg0 : i32, i32
  }
  func.func @transform_1(%arg0: i32) -> (i32, i32) {
    %c0_i32 = arith.constant 0 : i32
    %c0_i32_0 = arith.constant 0 : i32
    return %c0_i32, %arg0 : i32, i32
  }
  func.func @transform_2(%arg0: i32) -> (i32, i32) {
    %c0_i32 = arith.constant 0 : i32
    %c0_i32_0 = arith.constant 0 : i32
    return %c0_i32, %arg0 : i32, i32
  }
  func.func @transform_3(%arg0: i32) -> (i32, i32) {
    %c0_i32 = arith.constant 0 : i32
    %c0_i32_0 = arith.constant 0 : i32
    return %c0_i32, %arg0 : i32, i32
  }
  func.func @transform_4(%arg0: i32) -> (i32, i32) {
    %c0_i32 = arith.constant 0 : i32
    %c0_i32_0 = arith.constant 0 : i32
    %c0_i32_1 = arith.constant 0 : i32
    return %c0_i32, %c0_i32_0 : i32, i32
  }
  func.func @transform_5(%arg0: i32) -> (i32, i32) {
    %c0_i32 = arith.constant 0 : i32
    %c0_i32_0 = arith.constant 0 : i32
    %c0_i32_1 = arith.constant 0 : i32
    return %c0_i32, %c0_i32_0 : i32, i32
  }
  func.func @transform_6(%arg0: i32) -> (i32, i32) {
    %c0_i32 = arith.constant 0 : i32
    %c0_i32_0 = arith.constant 0 : i32
    %c0_i32_1 = arith.constant 0 : i32
    return %c0_i32, %c0_i32_0 : i32, i32
  }
  func.func @transform_7(%arg0: i32) -> (i32, i32) {
    %c0_i32 = arith.constant 0 : i32
    %c0_i32_0 = arith.constant 0 : i32
    %c0_i32_1 = arith.constant 0 : i32
    return %c0_i32, %c0_i32_0 : i32, i32
  }
  func.func @transform_8(%arg0: i32) -> (i32, i32) {
    %c0_i32 = arith.constant 0 : i32
    %c0_i32_0 = arith.constant 0 : i32
    %c0_i32_1 = arith.constant 0 : i32
    return %c0_i32, %c0_i32_0 : i32, i32
  }
  func.func @transform_9(%arg0: i32) -> (i32, i32) {
    %c0_i32 = arith.constant 0 : i32
    %c0_i32_0 = arith.constant 0 : i32
    %c0_i32_1 = arith.constant 0 : i32
    return %c0_i32, %c0_i32_0 : i32, i32
  }
  func.func @transform_10(%arg0: i32) -> (i32, i32) {
    %c0_i32 = arith.constant 0 : i32
    %c0_i32_0 = arith.constant 0 : i32
    %c0_i32_1 = arith.constant 0 : i32
    return %c0_i32, %c0_i32_0 : i32, i32
  }
  func.func @transform_11(%arg0: i32) -> (i32, i32) {
    %c0_i32 = arith.constant 0 : i32
    %c0_i32_0 = arith.constant 0 : i32
    %c0_i32_1 = arith.constant 0 : i32
    return %c0_i32, %c0_i32_0 : i32, i32
  }
  func.func @transform_12(%arg0: i32) -> (i32, i32) {
    %c0_i32 = arith.constant 0 : i32
    %c0_i32_0 = arith.constant 0 : i32
    %c0_i32_1 = arith.constant 0 : i32
    return %c0_i32, %c0_i32_0 : i32, i32
  }
  func.func @transform_13(%arg0: i32) -> (i32, i32) {
    %c0_i32 = arith.constant 0 : i32
    %c0_i32_0 = arith.constant 0 : i32
    %c0_i32_1 = arith.constant 0 : i32
    return %c0_i32, %c0_i32_0 : i32, i32
  }
  func.func @transform_14(%arg0: i32) -> (i32, i32) {
    %c0_i32 = arith.constant 0 : i32
    %c0_i32_0 = arith.constant 0 : i32
    %c0_i32_1 = arith.constant 0 : i32
    return %c0_i32, %c0_i32_0 : i32, i32
  }
  func.func @transform_15(%arg0: i32) -> (i32, i32) {
    %c0_i32 = arith.constant 0 : i32
    %c0_i32_0 = arith.constant 0 : i32
    return %c0_i32, %arg0 : i32, i32
  }
}

</mosaic_0001>

<sc_bundles>
// kernel: kernel.4.cloned.1.call-start
scs
__scs_entry_jumppad:
0x0: {  	(pc) =	sbr.rel $0x88, $3  }
0x1: {  	(tag) =	ssettag $0x0;
	lr =	simm.s32 $0x1  }
0x2: {  	[smem:$0x3F89] =	sst lr;
	_ =	strace $0xD0000000  }
0x3: {  	_ = 	snop  }
0x4: {  	_ = 	snop  }
0x5: {  	_ = 	snop  }
0x6: {  	_ = 	snop  }
0x7: {  	_ = 	snop  }
__scs_overlays_trampoline_lowered:
0x8: {  	[smem:$0x3F98] =	sst s0  }
0x9: {  	[smem:$0x3F99] =	sst s1  }
0xa: {  	[smem:$0x3F9A] =	sst s2  }
0xb: {  	[smem:$0x3F9B] =	sst s3  }
0xc: {  	[smem:$0x3F9C] =	sst s4  }
0xd: {  	[smem:$0x3F9D] =	sst s5  }
0xe: {  	[smem:$0x3F9E] =	sst s6  }
0xf: {  	[smem:$0x3F9F] =	sst s7  }
0x10: {  	[smem:$0x3FA0] =	sst s8  }
0x11: {  	[smem:$0x3FA1] =	sst s9;
	s0 =	simm.s32 @!p0 $0x0  }
0x12: {  	s1 =	sld [smem:$0x3F87];
	s0 =	simm.s32 @p0 $0x1  }
0x13: {  	[smem:$0x3FA2] =	sst s0;
	s0 =	simm.s32 @!p1 $0x0  }
0x14: {  	s2 =	sld [smem:$0x3F86];
	s0 =	simm.s32 @p1 $0x1  }
0x15: {  	[smem:$0x3FA3] =	sst s0;
	s0 =	simm.s32 @!p2 $0x0  }
0x16: {  	s3 =	sld [smem:$0x3FDB];
	s0 =	simm.s32 @p2 $0x1  }
0x17: {  	s4 =	simm.s32 $0x1BF5;
	[smem:$0x3FA5] =	sst s0  }
0x18: {  	s0 =	sld [smem:$0x3F88];
	_ =	swait.ge [sflag:s4], $0x0  }
0x19: {  	s7 =	sld [smem:$0x3F89]  }
0x1a: {  	s8 =	sadd.s32 $0xFFFFE003, lr  }
0x1b: {  	s9 =	sadd.s32 $0xFFFFFEF7, lr;
	s5 =	simm.s32 $0xFFFFFFFF;
	p2 =	slt.u32 s8, $0xFFFFF086  }
0x1c: {  	p1 =	slt.u32 s9, $0xF7A;
	s5 =	simm.s32 @!p2 $0x0  }
0x1d: {  	s5 =	simm.s32 @p1 $0x1;
	p0 =	seq.s32 s7, s2  }
0x1e: {  	s7 =	smul.u32 @!p0 $0xF7A, s2;
	p2 =	seq.s32 @!p0 s5, $0x0  }
0x1f: {  	s9 =	smul.u32 $0xF7A, s1;
	s8 =	simm.s32 @!p0 $0x1BF5;
	p2 =	por !p2, p0  }
0x20: {  	[sflag:s8] =	ssyncset.s32 @!p0 $0xFFFFF086;
	s6 =	sadd.s32 @!p0 s3, s7;
	s7 =	simm.s32 @!p0 $0x108  }
0x21: {  	s3 =	sadd.s32 s3, s9;
	s6 =	sadd.s32 @!p0 $0x88, s6;
	s7 =	simm.s32 @p2 $0x1082  }
0x22: {  	[simem:s7], [sflag:s8] =	dma.local @!p0 [hbm:s6], $0xF7A  }
0x23: {  	s9 =	sor.u32 $0xD0000000, s2;
	s6 =	simm.s32 $0x108;
	_ =	swait.ge @!p0 [sflag:s8], $0x0  }
0x24: {  	s3 =	sadd.s32 $0x88, s3;
	s6 =	simm.s32 @!p1 $0x1082;
	[sflag:s4] =	ssyncset.s32 $0xFFFFF086  }
0x25: {  	[simem:s6], [sflag:s4] =	dma.local [hbm:s3], $0xF7A  }
0x26: {  	[smem:$0x3F89] =	sst s1;
	(tag) =	ssettag s2;
	_ =	strace s9  }
0x27: {  	s1 =	sld [smem:$0x3F99]  }
0x28: {  	s2 =	sld [smem:$0x3F9A]  }
0x29: {  	s4 =	sld [smem:$0x3F9C]  }
0x2a: {  	p0 =	seq.s32 s5, $0x0;
	s5 =	sld [smem:$0x3F9D]  }
0x2b: {  	s6 =	sld [smem:$0x3F9E]  }
0x2c: {  	s7 =	sld [smem:$0x3F9F]  }
0x2d: {  	s3 =	simm.s32 $0x108;
	s8 =	sld [smem:$0x3FA0]  }
0x2e: {  	s3 =	simm.s32 @!p0 $0x1082;
	s9 =	sld [smem:$0x3FA1]  }
0x2f: {  	lr =	sadd.s32 s0, s3;
	s0 =	sld [smem:$0x3F98]  }
0x30: {  	s3 =	sld [smem:$0x3F9B]  }
0x31: {  	[smem:$0x3FA4] =	sst s10  }
0x32: {  	s10 =	sld [smem:$0x3FA2];
	_ =	sdelay $0x3  }
0x33: {  	p0 =	seq.s32 s10, $0x1;
	s10 =	sld [smem:$0x3FA4];
	_ =	sdelay $0x3  }
0x34: {  	[smem:$0x3FA4] =	sst s10  }
0x35: {  	s10 =	sld [smem:$0x3FA3];
	_ =	sdelay $0x3  }
0x36: {  	p1 =	seq.s32 s10, $0x1;
	s10 =	sld [smem:$0x3FA4];
	_ =	sdelay $0x3  }
0x37: {  	[smem:$0x3FA4] =	sst s10  }
0x38: {  	s10 =	sld [smem:$0x3FA5]  }
0x39: {  	_ = 	snop;
	(pc) =	sbr.ind lr, $3  }
0x3a: {  	_ = 	snop  }
0x3b: {  	_ = 	snop  }
0x3c: {  	p2 =	seq.s32 s10, $0x1;
	s10 =	sld [smem:$0x3FA4]  }
0x3d: {  	_ =	shalt  }
0x3e: {  	_ =	shalt  }
0x3f: {  	_ =	shalt  }
0x40: {  	_ =	shalt  }
0x41: {  	_ =	shalt  }
0x42: {  	_ =	shalt  }
0x43: {  	_ =	shalt  }
0x44: {  	_ =	shalt  }
0x45: {  	_ =	shalt  }
0x46: {  	_ =	shalt  }
0x47: {  	_ =	shalt  }
0x48: {  	_ =	shalt  }
0x49: {  	_ =	shalt  }
0x4a: {  	_ =	shalt  }
0x4b: {  	_ =	shalt  }
0x4c: {  	_ =	shalt  }
0x4d: {  	_ =	shalt  }
0x4e: {  	_ =	shalt  }
0x4f: {  	_ =	shalt  }
0x50: {  	_ =	shalt  }
0x51: {  	_ =	shalt  }
0x52: {  	_ =	shalt  }
0x53: {  	_ =	shalt  }
0x54: {  	_ =	shalt  }
0x55: {  	_ =	shalt  }
0x56: {  	_ =	shalt  }
0x57: {  	_ =	shalt  }
0x58: {  	_ =	shalt  }
0x59: {  	_ =	shalt  }
0x5a: {  	_ =	shalt  }
0x5b: {  	_ =	shalt  }
0x5c: {  	_ =	shalt  }
0x5d: {  	_ =	shalt  }
0x5e: {  	_ =	shalt  }
0x5f: {  	_ =	shalt  }
0x60: {  	_ =	shalt  }
0x61: {  	_ =	shalt  }
0x62: {  	_ =	shalt  }
0x63: {  	_ =	shalt  }
0x64: {  	_ =	shalt  }
0x65: {  	_ =	shalt  }
0x66: {  	_ =	shalt  }
0x67: {  	_ =	shalt  }
0x68: {  	_ =	shalt  }
0x69: {  	_ =	shalt  }
0x6a: {  	_ =	shalt  }
0x6b: {  	_ =	shalt  }
0x6c: {  	_ =	shalt  }
0x6d: {  	_ =	shalt  }
0x6e: {  	_ =	shalt  }
0x6f: {  	_ =	shalt  }
0x70: {  	_ =	shalt  }
0x71: {  	_ =	shalt  }
0x72: {  	_ =	shalt  }
0x73: {  	_ =	shalt  }
0x74: {  	_ =	shalt  }
0x75: {  	_ =	shalt  }
0x76: {  	_ =	shalt  }
0x77: {  	_ =	shalt  }
0x78: {  	_ =	shalt  }
0x79: {  	_ =	shalt  }
0x7a: {  	_ =	shalt  }
0x7b: {  	_ =	shalt  }
0x7c: {  	_ =	shalt  }
0x7d: {  	_ =	shalt  }
0x7e: {  	_ =	shalt  }
0x7f: {  	_ =	shalt  }
0x80: {  	_ =	shalt  }
0x81: {  	_ =	shalt  }
0x82: {  	_ =	shalt  }
0x83: {  	_ =	shalt  }
0x84: {  	_ =	shalt  }
0x85: {  	_ =	shalt  }
0x86: {  	_ =	shalt  }
0x87: {  	_ =	shalt  }
.Lfunc_end0:
.L_simem_size_0:
called_computation_lowered:
.L_overlay_start_0:
0x88: {  	s2 =	sld [smem:$0x3FD9]  }
0x89: {  	s3 =	sld [smem:$0x3FFE];
	_ =	sdelay $0x1  }
0x8a: {  	s1 =	srdreg.scid  }
0x8b: {  	s0 =	sand.u32 $0x1, s1  }
0x8c: {  	s17 =	sshll.u32 s0, $0xA;
	s2 =	sadd.s32 s3, s2  }
0x8d: {  	s2 =	sadd.s32 s2, s17  }
0x8e: {  	[smem:$0x3FB0] =	sst s2  }
0x8f: {  	_ = 	snop  }
0x90: {  	s2 =	sld [smem:$0x3FC9]  }
0x91: {  	s18 =	sld [smem:$0x3FC8]  }
0x92: {  	s4 =	sld [smem:$0x3FC7]  }
0x93: {  	s5 =	sld [smem:$0x3FC6]  }
0x94: {  	s6 =	sld [smem:$0x3FC5]  }
0x95: {  	s7 =	sld [smem:$0x3FC4];
	(tm) =	ssettm $0x1  }
0x96: {  	s8 =	sld [smem:$0x3FFB];
	_ =	sdelay $0x3  }
0x97: {  	_ =	strace s8  }
0x98: {  	s8 =	sld [smem:$0x3FFC];
	_ =	sdelay $0x3  }
0x99: {  	_ =	strace s8  }
0x9a: {  	s8 =	sld [smem:$0x3FFD];
	_ =	sdelay $0x3  }
0x9b: {  	_ =	strace s8  }
0x9c: {  	_ =	strace $0x8FFFFFFF  }
0x9d: {  	s19 =	sld [smem:$0x3FDB];
	_ =	sdelay $0x1  }
0x9e: {  	s9 =	simm.s32 $_scs_section_size  }
0x9f: {  	s10 =	simm.s32 $_size__tile_overlayer_lowered;
	s11 =	simm.s32 $_tile_overlayer_lowered  }
0xa0: {  	s22 =	simm.s32 $0x1BFF;
	s21 =	sshll.u32 s11, $0x1;
	s8 =	sadd.s32 s9, s19  }
0xa1: {  	s12 =	simm.s32 $0x0;
	s20 =	sshll.u32 s10, $0x1;
	s10 =	sadd.s32 s21, s8  }
0xa2: {  	[timem:s12], [sflag:s22] =	dma.local [hbm:s10], s20  }
0xa3: {  	_ =	swait.ge [sflag:s22], s20  }
0xa4: {  	s9 =	ssub.s32 $0x0, s20;
	[sflag:s22] =	ssyncset.done $0x0  }
0xa5: {  	[sflag:s22] =	ssyncadd.s32 s9;
	_ =	sdelay $0x1  }
0xa6: {  	s23 =	simm.s32 $0x1B8B  }
0xa7: {  	_ =	swait.ge [sflag:s23], $0x1  }
0xa8: {  	[sflag:s23] =	ssyncset.done $0x0  }
0xa9: {  	s25 =	simm.s32 $0x1B8E;
	s24 =	sld [smem:$0x3FFE];
	[sflag:s23] =	ssyncadd.s32 $0xFFFFFFFF  }
0xaa: {  	s26 =	simm.s32 $execute0_lowered;
	[smem:$0x3FD2] =	sst s25  }
0xab: {  	s10 =	sshll.u32 s26, $0x1;
	_ =	strace $0x80000046;
	[dreg:$0x1] =	wrdreg $0xFFFFFFFF  }
0xac: {  	s28 =	simm.s32 $_size_execute0_lowered;
	s8 =	sadd.s32 s8, s10;
	[dreg:$0x0] =	wrdreg $0x0  }
0xad: {  	s10 =	sshll.u32 s28, $0x1;
	[dreg:$0x2] =	wrdreg s8  }
0xae: {  	[dreg:$0x3] =	wrdreg s10  }
0xaf: {  	[dreg:$0x4] =	wrdreg $0xC0  }
0xb0: {  	_ =	task [dreg:s12], $0x5FFFF  }
0xb1: {  	[dreg:$0x1] =	wrdreg $0xFFFFFFFF  }
0xb2: {  	[dreg:$0x0] =	wrdreg $0x60  }
0xb3: {  	[dreg:$0x2] =	wrdreg s2  }
0xb4: {  	[dreg:$0x3] =	wrdreg s18  }
0xb5: {  	[dreg:$0x4] =	wrdreg s4  }
0xb6: {  	[dreg:$0x5] =	wrdreg s5  }
0xb7: {  	[dreg:$0x6] =	wrdreg s6  }
0xb8: {  	[dreg:$0x7] =	wrdreg s7  }
0xb9: {  	[dreg:$0x8] =	wrdreg s24  }
0xba: {  	[dreg:$0x9] =	wrdreg $0x9  }
0xbb: {  	_ =	task.clear_ibuf [dreg:s12], $0xAFFFF;
	_ =	strace $0x90000046  }
0xbc: {  	s29 =	simm.s32 $0x9;
	_ =	strace $0x80000048  }
0xbd: {  	_ =	swait.ge [sflag:s29], $0x1  }
0xbe: {  	[sflag:s29] =	ssyncadd.s32 $0xFFFFFFFF  }
0xbf: {  	_ =	strace $0x90000048  }
0xc0: {  	_ =	sfence  }
0xc1: {  	s30 =	sld [smem:$0x0];
	_ =	sdelay $0x2  }
0xc2: {  	s31 =	sshll.u32 s1, $0xD;
	s1 =	sshrl.u32 s1, $0x2  }
0xc3: {  	s3 =	sand.u32 $0x4000, s31;
	s1 =	sadd.s32 s1, s30  }
0xc4: {  	s0 =	sor.u32 s3, s0;
	s1 =	sshll.u32 s1, $0x11  }
0xc5: {  	s0 =	sor.u32 s1, s0  }
0xc6: {  	s0 =	sadd.s32 $0x8F2B, s0  }
0xc7: {  	[sflag:s0] =	ssyncadd.remote.s32 $0x1  }
0xc8: {  	_ =	sfence.sel $0xFFFF  }
0xc9: {  	[dreg:$0x0] =	wrdreg $0xFFFFFFFF;
	(pc) =	sbr.abs _section_cstart, $3  }
0xca: {  	[dreg:$0x1] =	wrdreg $0xFFFFFFFF  }
0xcb: {  	_ =	task.clear_ibuf [dreg:s12], $0x2FFFF;
	_ =	strace $0x9FFFFFFF  }
0xcc: {  	(tm) =	ssettm $0x7FFFFFFF  }
0xcd: {  	_ =	shalt  }
tec
execute0_lowered:
.L_overlay_start_1:
0x0: {  	(tag) =	ssettag $0x1  }
0x1: {  	s0 =	rddreg [dreg:$0x0]  }
0x2: {  	s6 =	rddreg [dreg:$0x1]  }
0x3: {  	s1 =	rddreg [dreg:$0x2]  }
0x4: {  	s2 =	rddreg [dreg:$0x3]  }
0x5: {  	s3 =	rddreg [dreg:$0x4]  }
0x6: {  	s4 =	rddreg [dreg:$0x5]  }
0x7: {  	s10 =	rddreg [dreg:$0x6];
	s5 =	simm.s32 $0x0;
	s9 =	srdreg.scid  }
0x8: {  	s25 =	stileid.u32;
	s16 =	simm.s32 $0x500;
	s17 =	simm.s32 $0x14500  }
0x9: {  	s18 =	simm.s32 $0x5500;
	s19 =	simm.s32 $0x16500;
	s20 =	simm.s32 $0xA500  }
0xa: {  	s21 =	simm.s32 $0x18500;
	s22 =	simm.s32 $0xF500;
	s23 =	simm.s32 $0x1A500  }
0xb: {  	s28 =	simm.s32 $0x18;
	s29 =	simm.s32 $0x0;
	s9 =	sand.u32 $0x1, s9  }
0xc: {  	[smem:$0x7FF] =	sst s5;
	s12 =	sshll.u32 s25, $0xA;
	s13 =	sshll.u32 s9, $0x9  }
0xd: {  	s7 =	sadd.s32 $0x3A00, s10;
	s8 =	sadd.s32 $0x13A00, s10;
	s15 =	sor.u32 s13, s12  }
.Ltmp0:
0xe: {  	s11 =	ssub.s32 $0x2, s9;
	s12 =	sshrl.u32 s15, $0x3;
	(pc) =	sbr.rel .LBB2_1-.Ltmp0, $4  }
0xf: {  	v0 =	vlaneseq.u32;
	_ =	strace $0x80000047;
	s14 =	sshrl.u32 s11, $0x1;
	s0 =	sadd.s32 s0, s12  }
0x10: {  	v0 =	vmul.u32 $0x80, v0;
	s26 =	ssub.s32 s11, s14;
	s30 =	sadd.s32 s6, s12;
	[dreg:$0x8] =	wrdreg s0  }
0x11: {  	s9 =	sadd.s32 $0x23A00, s10;
	s31 =	smax.u32 s26, $0x1;
	[dreg:$0x9] =	wrdreg s30  }
0x12: {  	s10 =	sadd.s32 $0x33A00, s10;
	v1 =	vor.u32 $0x800, v0;
	s14 =	sadd.s32 $0xFFFFF7D, s15;
	[dreg:$0xa] =	wrdreg s31  }
.LBB2_5:
0x13: {  	s0 =	simm.s32 $0x15  }
0x14: {  	_ =	swait.ge [sflag:s0], $0x1000  }
0x15: {  	[sflag:s0] =	ssyncset.done $0x0  }
0x16: {  	[sflag:s0] =	ssyncadd.s32 $0xFFFFF000  }
0x17: {  	_ =	swait.ge [sflag:s0], $0x1000  }
0x18: {  	[sflag:s0] =	ssyncset.done $0x0  }
0x19: {  	s26 =	simm.s32 $0x16;
	[sflag:s0] =	ssyncadd.s32 $0xFFFFF000  }
0x1a: {  	_ =	swait.ge [sflag:s26], $0x1000  }
0x1b: {  	[sflag:s26] =	ssyncset.done $0x0  }
0x1c: {  	[sflag:s26] =	ssyncadd.s32 $0xFFFFF000  }
0x1d: {  	_ =	swait.ge [sflag:s26], $0x1000  }
0x1e: {  	[sflag:s26] =	ssyncset.done $0x0  }
0x1f: {  	s30 =	simm.s32 $0x17;
	[sflag:s26] =	ssyncadd.s32 $0xFFFFF000  }
0x20: {  	_ =	swait.ge [sflag:s30], $0x1000  }
0x21: {  	[sflag:s30] =	ssyncset.done $0x0  }
0x22: {  	[sflag:s30] =	ssyncadd.s32 $0xFFFFF000  }
0x23: {  	_ =	swait.ge [sflag:s30], $0x1000  }
0x24: {  	[sflag:s30] =	ssyncset.done $0x0  }
0x25: {  	[sflag:s30] =	ssyncadd.s32 $0xFFFFF000  }
0x26: {  	_ =	swait.ge [sflag:s28], $0x1000  }
0x27: {  	[sflag:s28] =	ssyncset.done $0x0  }
0x28: {  	[sflag:s28] =	ssyncadd.s32 $0xFFFFF000  }
0x29: {  	_ =	swait.ge [sflag:s28], $0x1000  }
0x2a: {  	s29 =	sadd.s32 $0x1, s29;
	s31 =	rddreg [dreg:$0xa]  }
0x2b: {  	p0 =	sne.s32 s29, s31  }
.Ltmp1:
0x2c: {  	_ = 	snop;
	(pc) =	sbr.rel @!p0 .LBB2_6-.Ltmp1, $3  }
0x2d: {  	_ =	sdelay $0x1  }
0x2e: {  	[sflag:s28] =	ssyncset.done $0x0  }
0x2f: {  	[sflag:s28] =	ssyncadd.s32 $0xFFFFF000  }
.LBB2_1:
0x30: {  	s0 =	simm.s32 $0x0;
	s5 =	rddreg [dreg:$0x8];
	s6 =	simm.s32 $0x19  }
0x31: {  	[tilespmem:s0], [sflag:$0x19] =	stream.linear.gather [hbm4b:s5+s0], $0x200, $0x38;
	[tilespmem:$0x1C500] =	vst v63  }
0x32: {  	_ =	swait.ge [sflag:s6], $0x200  }
0x33: {  	s30 =	simm.s32 $0x280;
	[sflag:s6] =	ssyncset.done $0x0  }
.Ltmp2:
0x34: {  	s26 =	rddreg [dreg:$0x9];
	[sflag:s6] =	ssyncadd.s32 $0xFFFFFE00;
	(pc) =	sbr.rel .LBB2_2-.Ltmp2, $4  }
0x35: {  	[tilespmem:s30], [sflag:$0x19] =	stream.linear.gather [hbm4b:s26+s0], $0x200, $0x38;
	[tilespmem:$0x1C500] =	vst v63  }
0x36: {  	_ =	swait.ge [sflag:s6], $0x200  }
0x37: {  	[sflag:s6] =	ssyncset.done $0x0  }
0x38: {  	s31 =	simm.s32 $0x0;
	s0 =	simm.s32 $0x0;
	[sflag:s6] =	ssyncadd.s32 $0xFFFFFE00  }
.LBB2_4:
0x39: {  	s0 =	sadd.s32 $0x1, s0  }
0x3a: {  	p0 =	sne.s32 s0, $0x204  }
.Ltmp3:
0x3b: {  	_ = 	snop;
	(pc) =	sbr.rel @!p0 .LBB2_5-.Ltmp3, $2  }
0x3c: {  	_ =	sdelay $0x2  }
0x3d: {  	s30 =	sadd.s32 $0x1, s30;
	s31 =	sadd.s32 $0x1, s31  }
.LBB2_2:
0x3e: {  	p0 =	sgt.u32 s0, $0x1FF  }
0x3f: {  	v2 =	vld @!p0 [tilespmem:s30+$0x0];
	_ =	sdelay $0x1  }
0x40: {  	v3 =	vld @!p0 [tilespmem:s31+$0x0];
	_ =	sdelay $0x2  }
0x41: {  	(v2sf) =	vpush @!p0 v2, $0x0;
	_ =	sdelay $0x1  }
0x42: {  	(v2sf) =	vpush @!p0 v3, $0x0;
	_ =	sdelay $0x6  }
0x43: {  	s6 =	smul.u32 @!p0 $0xCCCD, s0;
	_ =	sdelay $0x1  }
0x44: {  	s6 =	sshrl.u32 @!p0 s6, $0x12  }
0x45: {  	s6 =	smul.u32 @!p0 $0x5, s6;
	_ =	sdelay $0x1  }
0x46: {  	s25 =	simm.s32 @!p0 $0x400;
	s6 =	ssub.s32 @!p0 s0, s6  }
0x47: {  	s26 =	simm.s32 @!p0 $0x7A1400;
	s6 =	sand.u32 @!p0 $0xFFFF, s6;
	s5 =	spop @!p0 (v2sf)  }
0x48: {  	s15 =	sadd.s32 @!p0 $0x1, s6;
	s11 =	sshra.s32 @!p0 s5, $0x1F;
	s12 =	sand.u32 @!p0 $0x7F, s5  }
0x49: {  	s13 =	spop @!p0 (v2sf);
	p1 =	slt.s32 @!p0 s5, $0x1;
	p2 =	sne.s32 @!p0 s12, $0x0  }
0x4a: {  	s12 =	sand.u32 @!p0 $0x7F, s13;
	s11 =	sshrl.u32 @!p0 s11, $0x19;
	p1 =	por @!p0 !p1, !p2  }
0x4b: {  	p2 =	slt.s32 @!p0 s13, $0x1;
	p3 =	sne.s32 @!p0 s12, $0x0;
	s5 =	sadd.s32 @!p0 s11, s5  }
0x4c: {  	s11 =	sshra.s32 @!p0 s13, $0x1F;
	s12 =	simm.s32 @!p0 $0x1;
	p2 =	por @!p0 !p2, !p3  }
0x4d: {  	p1 =	por @!p0 !p1, !p1;
	s11 =	sshrl.u32 @!p0 s11, $0x19;
	p2 =	por @!p0 !p2, !p2  }
0x4e: {  	p1 =	por !p1, p0;
	s11 =	sadd.s32 @!p0 s11, s13;
	p2 =	por !p2, p0  }
0x4f: {  	s13 =	simm.s32 @!p0 $0x1;
	s11 =	sshrl.u32 @!p0 s11, $0x7;
	s12 =	simm.s32 @p2 $0x0  }
0x50: {  	s5 =	sshrl.u32 @!p0 s5, $0x7;
	s13 =	simm.s32 @p1 $0x0;
	s11 =	ssub.s32 @!p0 s11, s12  }
0x51: {  	p1 =	slt.u32 @!p0 s0, $0x4;
	s5 =	ssub.s32 @!p0 s5, s13;
	s11 =	sshll.u32 @!p0 s11, $0x7  }
0x52: {  	s12 =	sshll.u32 @!p0 s6, $0xC;
	s5 =	sshll.u32 @!p0 s5, $0x7;
	s11 =	sand.u32 @!p0 $0x1FFFFF80, s11  }
0x53: {  	s13 =	sor.u32 @!p0 $0x500, s12;
	s5 =	sand.u32 @!p0 $0x1FFFFF80, s5;
	s24 =	sadd.s32 @!p0 s1, s11  }
0x54: {  	[tilespmem:s13], [sflag:s15] =	stream.strided.gather @!p0 [hbm4b:s24+s25], $0x1000, s26, s25, $0x38;
	[tilespmem:$0x1C500] =	vst v63  }
0x55: {  	s13 =	sadd.s32 @!p0 $0x5500, s12;
	s15 =	sadd.s32 @!p0 $0x6, s6;
	s24 =	sadd.s32 @!p0 s2, s5  }
0x56: {  	[tilespmem:s13], [sflag:s15] =	stream.strided.gather @!p0 [hbm4b:s24+s25], $0x1000, s26, s25, $0x38;
	[tilespmem:$0x1C500] =	vst v63  }
0x57: {  	s11 =	sadd.s32 @!p0 s3, s11;
	s13 =	sadd.s32 @!p0 $0xA500, s12;
	s15 =	sadd.s32 @!p0 $0xB, s6  }
0x58: {  	[tilespmem:s13], [sflag:s15] =	stream.strided.gather @!p0 [hbm4b:s11+s25], $0x1000, s26, s25, $0x38;
	[tilespmem:$0x1C500] =	vst v63  }
0x59: {  	s5 =	sadd.s32 @!p0 s4, s5;
	s6 =	sor.u32 @!p0 $0x10, s6;
	s11 =	sadd.s32 @!p0 $0xF500, s12  }
0x5a: {  	[tilespmem:s11], [sflag:s6] =	stream.strided.gather @!p0 [hbm4b:s5+s25], $0x1000, s26, s25, $0x38;
	[tilespmem:$0x1C500] =	vst v63  }
0x5b: {  	p0 =	por p0, !p1  }
.Ltmp4:
0x5c: {  	_ = 	snop;
	(pc) =	sbr.rel @!p0 .LBB2_4-.Ltmp4, $1  }
0x5d: {  	_ =	sdelay $0x3  }
0x5e: {  	v2 =	vld [tilespmem:s31+$0xFFFFFFFC]  }
0x5f: {  	v3 =	vld [tilespmem:s30+$0xFFFFFFFC];
	_ =	sdelay $0x3  }
0x60: {  	(v2sf) =	vpush v2, $0x0  }
0x61: {  	(v2sf) =	vpush v3, $0x0;
	_ =	sdelay $0xa  }
0x62: {  	s5 =	sadd.s32 $0xFFFFFFFC, s0  }
0x63: {  	p0 =	slt.u32 s0, $0x104;
	s6 =	sand.u32 $0x7F, s5  }
0x64: {  	p1 =	sne.s32 @!p0 s6, $0x0  }
0x65: {  	p0 =	por p1, p0;
	s11 =	spop (v2sf)  }
0x66: {  	s15 =	sand.u32 $0xFFFF, s5;
	s13 =	simm.s32 @!p0 $0x15;
	s12 =	spop (v2sf)  }
0x67: {  	s15 =	smul.u32 $0xCCCD, s15;
	_ =	swait.ge @!p0 [sflag:s13], $0x1000  }
0x68: {  	[sflag:s13] =	ssyncset.done @!p0 $0x0  }
0x69: {  	s15 =	sshrl.u32 s15, $0x12;
	[sflag:s13] =	ssyncadd.s32 @!p0 $0xFFFFF000;
	s13 =	simm.s32 @!p0 $0x16  }
0x6a: {  	s15 =	smul.u32 $0x5, s15;
	_ =	swait.ge @!p0 [sflag:s13], $0x1000  }
0x6b: {  	[sflag:s13] =	ssyncset.done @!p0 $0x0  }
0x6c: {  	s15 =	ssub.s32 s5, s15;
	[sflag:s13] =	ssyncadd.s32 @!p0 $0xFFFFF000;
	s13 =	simm.s32 @!p0 $0x17  }
0x6d: {  	s15 =	sand.u32 $0xFFFF, s15;
	_ =	swait.ge @!p0 [sflag:s13], $0x1000  }
0x6e: {  	s24 =	sshll.u32 s15, $0xC;
	[sflag:s13] =	ssyncset.done @!p0 $0x0  }
0x6f: {  	s11 =	sand.u32 $0x7F, s11;
	[sflag:s13] =	ssyncadd.s32 @!p0 $0xFFFFF000;
	s13 =	simm.s32 @!p0 $0x18  }
0x70: {  	v3 =	vor.u32 s24, v0;
	v2 =	vmov s11;
	_ =	swait.ge @!p0 [sflag:s13], $0x1000  }
0x71: {  	v4 =	vor.u32 v3, v2;
	[sflag:s13] =	ssyncset.done @!p0 $0x0  }
0x72: {  	s5 =	sshrl.u32 s5, $0x7;
	s25 =	sadd.s32 $0x1, s15;
	[sflag:s13] =	ssyncadd.s32 @!p0 $0xFFFFF000  }
0x73: {  	s5 =	sand.u32 $0x1, s5;
	_ =	swait.ge [sflag:s25], $0x1000  }
0x74: {  	v5 =	vmov s6;
	s26 =	sshll.u32 s5, $0xC;
	[sflag:s25] =	ssyncset.done $0x0  }
0x75: {  	v5 =	vor.u32 s26, v5;
	[sflag:s25] =	ssyncadd.s32 $0xFFFFF000  }
0x76: {  	v8 =	vor.u32 s24, v1;
	v7 =	vor.u32 v0, v5;
	v6 =	vld.idx.msk [tilespmem:v4+s16+$0x0], $0xffff  }
0x77: {  	v2 =	vor.u32 v8, v2;
	_ =	sdelay $0x3  }
0x78: {  	[tilespmem:v7+s17+$0x0] =	vst.idx.msk $0xffff, v6  }
0x79: {  	v5 =	vor.u32 v1, v5;
	v6 =	vld.idx.msk [tilespmem:v2+s16+$0x0], $0xffff;
	_ =	sdelay $0x1  }
0x7a: {  	s13 =	sand.u32 $0x7F, s12  }
0x7b: {  	v9 =	vmov s13  }
0x7c: {  	v3 =	vor.u32 v3, v9  }
0x7d: {  	s24 =	sadd.s32 $0x6, s15;
	[tilespmem:v5+s17+$0x0] =	vst.idx.msk $0xffff, v6  }
0x7e: {  	_ =	swait.ge [sflag:s24], $0x1000  }
0x7f: {  	[sflag:s24] =	ssyncset.done $0x0  }
0x80: {  	[sflag:s24] =	ssyncadd.s32 $0xFFFFF000  }
0x81: {  	v63 =	vld.idx.msk [tilespmem:v3+s18+$0x0], $0xffff  }
0x82: {  	v8 =	vor.u32 v8, v9;
	_ =	sdelay $0x3  }
0x83: {  	[tilespmem:v7+s19+$0x0] =	vst.idx.msk $0xffff, v63  }
0x84: {  	v6 =	vld.idx.msk [tilespmem:v8+s18+$0x0], $0xffff;
	_ =	sdelay $0x4  }
0x85: {  	s25 =	sadd.s32 $0xB, s15;
	[tilespmem:v5+s19+$0x0] =	vst.idx.msk $0xffff, v6  }
0x86: {  	_ =	swait.ge [sflag:s25], $0x1000  }
0x87: {  	[sflag:s25] =	ssyncset.done $0x0  }
0x88: {  	[sflag:s25] =	ssyncadd.s32 $0xFFFFF000  }
0x89: {  	v4 =	vld.idx.msk [tilespmem:v4+s20+$0x0], $0xffff;
	_ =	sdelay $0x4  }
0x8a: {  	[tilespmem:v7+s21+$0x0] =	vst.idx.msk $0xffff, v4  }
0x8b: {  	v2 =	vld.idx.msk [tilespmem:v2+s20+$0x0], $0xffff;
	_ =	sdelay $0x4  }
0x8c: {  	s26 =	sadd.s32 $0x10, s15;
	[tilespmem:v5+s21+$0x0] =	vst.idx.msk $0xffff, v2  }
0x8d: {  	_ =	swait.ge [sflag:s26], $0x1000  }
0x8e: {  	[sflag:s26] =	ssyncset.done $0x0  }
0x8f: {  	[sflag:s26] =	ssyncadd.s32 $0xFFFFF000  }
0x90: {  	v2 =	vld.idx.msk [tilespmem:v3+s22+$0x0], $0xffff;
	_ =	sdelay $0x4  }
0x91: {  	[tilespmem:v7+s23+$0x0] =	vst.idx.msk $0xffff, v2  }
0x92: {  	v2 =	vld.idx.msk [tilespmem:v8+s22+$0x0], $0xffff;
	_ =	sdelay $0x1  }
0x93: {  	p0 =	sne.s32 s6, $0x7F  }
0x94: {  	s6 =	sadd.s32 @!p0 s0, s14  }
0x95: {  	s5 =	sshll.u32 @!p0 s5, $0xC;
	s13 =	simm.s32 @!p0 $0x400;
	s6 =	sand.u32 @!p0 $0xFFFFF80, s6  }
0x96: {  	s11 =	sor.u32 @!p0 $0x14500, s5;
	s12 =	sadd.s32 @!p0 s7, s6;
	s15 =	simm.s32 @!p0 $0x20000;
	[tilespmem:v5+s23+$0x0] =	vst.idx.msk $0xffff, v2  }
0x97: {  	[hbm4b:s12+s13] =	stream.strided.scatter @!p0 [tilespmem:s11], [sflag:$0x15], $0x1000, s15, s13, $0x38;
	[tilespmem:$0x1C500] =	vst v63  }
0x98: {  	s11 =	sor.u32 @!p0 $0x16500, s5;
	s12 =	sadd.s32 @!p0 s8, s6  }
0x99: {  	[hbm4b:s12+s13] =	stream.strided.scatter @!p0 [tilespmem:s11], [sflag:$0x16], $0x1000, s15, s13, $0x38;
	[tilespmem:$0x1C500] =	vst v63  }
.Ltmp5:
0x9a: {  	_ = 	snop;
	(pc) =	sbr.rel .LBB2_4-.Ltmp5, $4  }
0x9b: {  	s11 =	sor.u32 @!p0 $0x18500, s5;
	s12 =	sadd.s32 @!p0 s9, s6  }
0x9c: {  	[hbm4b:s12+s13] =	stream.strided.scatter @!p0 [tilespmem:s11], [sflag:$0x17], $0x1000, s15, s13, $0x38;
	[tilespmem:$0x1C500] =	vst v63  }
0x9d: {  	s5 =	sor.u32 @!p0 $0x1A500, s5;
	s6 =	sadd.s32 @!p0 s10, s6  }
0x9e: {  	[hbm4b:s6+s13] =	stream.strided.scatter @!p0 [tilespmem:s5], [sflag:$0x18], $0x1000, s15, s13, $0x38;
	[tilespmem:$0x1C500] =	vst v63  }
.LBB2_6:
0x9f: {  	_ =	sfence.sel $0x180000  }
0xa0: {  	[bflag:$0x0] =	sbarrier.arrive $0xFFFF  }
0xa1: {  	_ =	strace $0x90000047  }
0xa2: {  	s0 =	stileid.u32;
	[bflag:$0x2] =	sbarrier.arrive $0xFFFF  }
0xa3: {  	p0 =	sne.s32 s0, $0x0;
	s0 =	rddreg [dreg:$0x7]  }
0xa4: {  	s0 =	sadd.s32 @!p0 $0x100000, s0  }
0xa5: {  	[sflag:s0] =	ssyncadd.tile.s32 @!p0 $0x1;
	_ =	shalt  }
.Lfunc_end2:
_tile_overlayer_lowered:
.L_overlay_start_2:
0xa6: {  	(tag) =	ssettag $0x2  }
0xa7: {  	s0 =	rddreg [dreg:$0x0];
	s2 =	stileid.u32  }
0xa8: {  	s1 =	rddreg [dreg:$0x1];
	p0 =	sne.s32 s2, $0x0  }
0xa9: {  	s3 =	rddreg [dreg:$0x2];
	[bflag:$0x3] =	sbarrier.arrive $0xFFFF;
	s2 =	simm.s32 @!p0 $0x1C19  }
0xaa: {  	[timem:s3], [sflag:s2] =	dma.local @!p0 [hbm:s0], s1  }
0xab: {  	s0 =	simm.s32 @!p0 $0x19  }
0xac: {  	_ =	swait.ge @!p0 [sflag:s0], s1  }
0xad: {  	s1 =	ssub.s32 @!p0 $0x0, s1;
	[sflag:s0] =	ssyncset.done @!p0 $0x0  }
0xae: {  	[sflag:s0] =	ssyncadd.s32 @!p0 s1  }
0xaf: {  	[bflag:$0x3] =	sbarrier.arrive $0xFFFF  }
0xb0: {  	_ =	shalt  }

</sc_bundles>
